<compile_context>
chip_gen: v7x
topology: tpu7x:2x2x1
jax: 0.10.2.dev20260603
libtpu: 0.0.44.dev20260713+nightly
codegen_flags: <defaults>
</compile_context>

<pallas_src>
import functools

import jax
import jax.numpy as jnp
from jax import lax
from jax.experimental import pallas as pl
from jax.experimental.pallas import tpu as pltpu
from jax.experimental.pallas import tpu_sc as plsc

_NUM_INPUTS = 7
_NUM_VOCAB = 13
_NUM_HIDDEN = 10
_BATCH = 16384

_ROWS = 521
_RSTRIDE = 17
_W2_ROW = 520


def _build_table(emb, W1, b1, W2, b2):
    w1r = W1.reshape(_NUM_HIDDEN, _NUM_INPUTS, 3)
    base = jnp.einsum("vd,jpd->pvj", emb, w1r,
                      precision=lax.Precision.HIGHEST)
    pair01 = (base[0][:, None, :] + base[1][None, :, :]).reshape(169, _NUM_HIDDEN)
    pair23 = (base[2][:, None, :] + base[3][None, :, :]).reshape(169, _NUM_HIDDEN)
    pair45 = (base[4][:, None, :] + base[5][None, :, :]).reshape(169, _NUM_HIDDEN)
    last = base[6] + b1[None, :]
    w2row = jnp.concatenate([W2.reshape(_NUM_HIDDEN), b2.reshape(1),
                             jnp.zeros(_RSTRIDE - _NUM_HIDDEN - 1,
                                       jnp.float32)])[None, :]
    body = jnp.concatenate([pair01, pair23, pair45, last], axis=0)
    body = jnp.pad(body, ((0, 0), (0, _RSTRIDE - _NUM_HIDDEN)))
    return jnp.concatenate([body, w2row], axis=0).reshape(_ROWS * _RSTRIDE)


def _pack_keys(input):
    iv = input.astype(jnp.int32)
    q0 = iv[:, 0] * _NUM_VOCAB + iv[:, 1]
    q1 = iv[:, 2] * _NUM_VOCAB + iv[:, 3]
    q2 = iv[:, 4] * _NUM_VOCAB + iv[:, 5]
    q3 = iv[:, 6]
    return q0 | (q1 << 8) | (q2 << 16) | (q3 << 24)


def _sc_mlp(keys_packed, tbl_flat, *, rows_per_w):
    blocks = rows_per_w // 16
    mesh = plsc.VectorSubcoreMesh(core_axis_name="c", subcore_axis_name="s")
    info = plsc.get_sparse_core_info()
    num_cores = info.num_cores

    @functools.partial(
        pl.kernel,
        mesh=mesh,
        out_type=jax.ShapeDtypeStruct((_BATCH,), jnp.float32),
        compiler_params=pltpu.CompilerParams(needs_layout_passes=False),
        scratch_types=[
            pltpu.VMEM((rows_per_w,), jnp.int32),
            pltpu.VMEM((_ROWS * _RSTRIDE,), jnp.float32),
            pltpu.VMEM((rows_per_w,), jnp.float32),
            pltpu.SemaphoreType.DMA,
        ],
    )
    def run(keys_hbm, tbl_hbm, out_hbm, keys_v, tbl_v, out_v, sem):
        wid = lax.axis_index("s") * num_cores + lax.axis_index("c")
        base_row = wid * rows_per_w
        cp1 = pltpu.async_copy(keys_hbm.at[pl.ds(base_row, rows_per_w)], keys_v, sem)
        cp2 = pltpu.async_copy(tbl_hbm, tbl_v, sem)
        cp1.wait()
        cp2.wait()

        w2vec = [
            plsc.load_gather(tbl_v, [jnp.full((16,), _W2_ROW * _RSTRIDE + j, jnp.int32)])
            for j in range(_NUM_HIDDEN)
        ]
        b2vec = plsc.load_gather(
            tbl_v, [jnp.full((16,), _W2_ROW * _RSTRIDE + _NUM_HIDDEN, jnp.int32)])

        @plsc.parallel_loop(0, blocks, unroll=4)
        def body(b):
            w = keys_v[pl.ds(b * 16, 16)]
            k0 = (w & 255) * _RSTRIDE
            k1 = ((w >> 8) & 255) * _RSTRIDE + 169 * _RSTRIDE
            k2 = ((w >> 16) & 255) * _RSTRIDE + 338 * _RSTRIDE
            k3 = (w >> 24) * _RSTRIDE + 507 * _RSTRIDE
            acc = b2vec
            for j in range(_NUM_HIDDEN):
                h = (plsc.load_gather(tbl_v, [k0 + j])
                     + plsc.load_gather(tbl_v, [k1 + j])
                     + plsc.load_gather(tbl_v, [k2 + j])
                     + plsc.load_gather(tbl_v, [k3 + j]))
                acc = acc + w2vec[j] * jnp.maximum(h, 0.0)
            out_v[pl.ds(b * 16, 16)] = acc

        pltpu.sync_copy(out_v, out_hbm.at[pl.ds(base_row, rows_per_w)])

    return run(keys_packed, tbl_flat)


def kernel(input, emb, W1, b1, W2, b2):
    info = plsc.get_sparse_core_info()
    n_workers = info.num_cores * info.num_subcores
    rows_per_w = _BATCH // n_workers
    tbl = _build_table(emb, W1, b1, W2, b2)
    keys = _pack_keys(input)
    return _sc_mlp(keys, tbl, rows_per_w=rows_per_w)

# --- scband reference (transcript-rebuilt; emitter-appended) ---
"""Pipeline reference for scband-net-16484084482861 (READ-ONLY COPY).

The authoritative reference and input builder live on the scoring server;
editing this copy changes nothing except your own understanding.
"""

import jax, jax.numpy as jnp
import numpy as np

NUM_INPUTS = 7
NUM_VOCAB = 13
NUM_DIM = 3
NUM_HIDDEN = 10
NUM_OUT = 1
BATCH = 16384


def setup_inputs(seed: int = 0) -> dict:
    key = jax.random.key(seed)
    k1, k2, k3, k4, k5, k6 = jax.random.split(key, 6)
    inp = jax.random.randint(k1, (BATCH, NUM_INPUTS), 0, NUM_VOCAB, dtype=jnp.int64 if jax.config.jax_enable_x64 else jnp.int32)
    emb = jax.random.normal(k2, (NUM_VOCAB, NUM_DIM), dtype=jnp.float32)
    fan_in1 = NUM_INPUTS * NUM_DIM
    W1 = jax.random.uniform(k3, (NUM_HIDDEN, fan_in1), dtype=jnp.float32, minval=-1.0, maxval=1.0) / jnp.sqrt(fan_in1)
    b1 = jax.random.uniform(k4, (NUM_HIDDEN,), dtype=jnp.float32, minval=-1.0, maxval=1.0) / jnp.sqrt(fan_in1)
    W2 = jax.random.uniform(k5, (NUM_OUT, NUM_HIDDEN), dtype=jnp.float32, minval=-1.0, maxval=1.0) / jnp.sqrt(NUM_HIDDEN)
    b2 = jax.random.uniform(k6, (NUM_OUT,), dtype=jnp.float32, minval=-1.0, maxval=1.0) / jnp.sqrt(NUM_HIDDEN)
    return {"input": inp, "emb": emb, "W1": W1, "b1": b1, "W2": W2, "b2": b2}


def reference(input, emb, W1, b1, W2, b2):
    x = jnp.take(emb, input, axis=0).reshape(-1, NUM_INPUTS * NUM_DIM)
    x = jax.nn.relu(x @ W1.T + b1)
    x = x @ W2.T + b2
    return jnp.squeeze(x)

if __name__ == "__main__":
    import jax
    _d = setup_inputs()
    print(jax.jit(kernel)(*tuple(_d.values())))

</pallas_src>

<mosaic_0001>
#map = affine_map<(d0, d1) -> (0)>
module attributes {stable_mosaic.version = 14 : i64} {
  func.func @run(%arg0: i32, %arg1: i32, %arg2: memref<16384xi32, #tpu.memory_space<hbm>>, %arg3: memref<8857xf32, #tpu.memory_space<hbm>>, %arg4: memref<16384xf32, #tpu.memory_space<hbm>>, %arg5: memref<512xi32, #tpu.memory_space<vmem>>, %arg6: memref<8857xf32, #tpu.memory_space<vmem>>, %arg7: memref<512xf32, #tpu.memory_space<vmem>>, %arg8: memref<!tpu.dma_semaphore, #tpu.memory_space<semaphore_mem>>) attributes {dimension_semantics = [#tpu.dimension_semantics<core_parallel>, #tpu.dimension_semantics<subcore_parallel>], iteration_bounds = array<i64: 2, 16>, scalar_prefetch = 0 : i64, scratch_operands = 4 : i64, tpu.core_type = #tpu.core_type<sc_vector_subcore>, window_params = [{transform_indices = #map}, {transform_indices = #map}, {transform_indices = #map}]} {
    %mul3A = arith.constant 2 : i32
    %mul3A_0 = arith.muli %arg1, %mul3A : i32
    %add3A = arith.addi %mul3A_0, %arg0 : i32
    %mul3A_1 = arith.constant 512 : i32
    %mul3A_2 = arith.muli %add3A, %mul3A_1 : i32
    %dma_start3A = tpu.memref_slice %arg2[%mul3A_2] : memref<16384xi32, #tpu.memory_space<hbm>> -> memref<512xi32, #tpu.memory_space<hbm>>
    %dma_start3A_3 = tpu.memref_slice %arg2[%mul3A_2] : memref<16384xi32, #tpu.memory_space<hbm>> -> memref<512xi32, #tpu.memory_space<hbm>>
    tpu.enqueue_dma source(%dma_start3A_3 : memref<512xi32, #tpu.memory_space<hbm>>) target(%arg5 : memref<512xi32, #tpu.memory_space<vmem>>) target_semaphore(%arg8 : memref<!tpu.dma_semaphore, #tpu.memory_space<semaphore_mem>>)
    tpu.enqueue_dma source(%arg3 : memref<8857xf32, #tpu.memory_space<hbm>>) target(%arg6 : memref<8857xf32, #tpu.memory_space<vmem>>) target_semaphore(%arg8 : memref<!tpu.dma_semaphore, #tpu.memory_space<semaphore_mem>>)
    %dma_wait3A = tpu.memref_slice %arg2[%mul3A_2] : memref<16384xi32, #tpu.memory_space<hbm>> -> memref<512xi32, #tpu.memory_space<hbm>>
    %dma_wait3A_4 = tpu.memref_slice %arg2[%mul3A_2] : memref<16384xi32, #tpu.memory_space<hbm>> -> memref<512xi32, #tpu.memory_space<hbm>>
    tpu.wait_dma2 semaphore(%arg8 : memref<!tpu.dma_semaphore, #tpu.memory_space<semaphore_mem>>) src(%dma_wait3A_4 : memref<512xi32, #tpu.memory_space<hbm>>) dst(%arg5 : memref<512xi32, #tpu.memory_space<vmem>>)
    tpu.wait_dma2 semaphore(%arg8 : memref<!tpu.dma_semaphore, #tpu.memory_space<semaphore_mem>>) src(%arg3 : memref<8857xf32, #tpu.memory_space<hbm>>) dst(%arg6 : memref<8857xf32, #tpu.memory_space<vmem>>)
    %broadcast_in_dim3A = arith.constant 8840 : i32
    %broadcast_in_dim3A_5 = vector.broadcast %broadcast_in_dim3A : i32 to vector<16xi32>
    %gather3A = tpu.vector_load_idx %arg6[%broadcast_in_dim3A_5] : memref<8857xf32, #tpu.memory_space<vmem>>[vector<16xi32>], vector<16xf32>,
    %broadcast_in_dim3A_6 = arith.constant 8841 : i32
    %broadcast_in_dim3A_7 = vector.broadcast %broadcast_in_dim3A_6 : i32 to vector<16xi32>
    %gather3A_8 = tpu.vector_load_idx %arg6[%broadcast_in_dim3A_7] : memref<8857xf32, #tpu.memory_space<vmem>>[vector<16xi32>], vector<16xf32>,
    %broadcast_in_dim3A_9 = arith.constant 8842 : i32
    %broadcast_in_dim3A_10 = vector.broadcast %broadcast_in_dim3A_9 : i32 to vector<16xi32>
    %gather3A_11 = tpu.vector_load_idx %arg6[%broadcast_in_dim3A_10] : memref<8857xf32, #tpu.memory_space<vmem>>[vector<16xi32>], vector<16xf32>,
    %broadcast_in_dim3A_12 = arith.constant 8843 : i32
    %broadcast_in_dim3A_13 = vector.broadcast %broadcast_in_dim3A_12 : i32 to vector<16xi32>
    %gather3A_14 = tpu.vector_load_idx %arg6[%broadcast_in_dim3A_13] : memref<8857xf32, #tpu.memory_space<vmem>>[vector<16xi32>], vector<16xf32>,
    %broadcast_in_dim3A_15 = arith.constant 8844 : i32
    %broadcast_in_dim3A_16 = vector.broadcast %broadcast_in_dim3A_15 : i32 to vector<16xi32>
    %gather3A_17 = tpu.vector_load_idx %arg6[%broadcast_in_dim3A_16] : memref<8857xf32, #tpu.memory_space<vmem>>[vector<16xi32>], vector<16xf32>,
    %broadcast_in_dim3A_18 = arith.constant 8845 : i32
    %broadcast_in_dim3A_19 = vector.broadcast %broadcast_in_dim3A_18 : i32 to vector<16xi32>
    %gather3A_20 = tpu.vector_load_idx %arg6[%broadcast_in_dim3A_19] : memref<8857xf32, #tpu.memory_space<vmem>>[vector<16xi32>], vector<16xf32>,
    %broadcast_in_dim3A_21 = arith.constant 8846 : i32
    %broadcast_in_dim3A_22 = vector.broadcast %broadcast_in_dim3A_21 : i32 to vector<16xi32>
    %gather3A_23 = tpu.vector_load_idx %arg6[%broadcast_in_dim3A_22] : memref<8857xf32, #tpu.memory_space<vmem>>[vector<16xi32>], vector<16xf32>,
    %broadcast_in_dim3A_24 = arith.constant 8847 : i32
    %broadcast_in_dim3A_25 = vector.broadcast %broadcast_in_dim3A_24 : i32 to vector<16xi32>
    %gather3A_26 = tpu.vector_load_idx %arg6[%broadcast_in_dim3A_25] : memref<8857xf32, #tpu.memory_space<vmem>>[vector<16xi32>], vector<16xf32>,
    %broadcast_in_dim3A_27 = arith.constant 8848 : i32
    %broadcast_in_dim3A_28 = vector.broadcast %broadcast_in_dim3A_27 : i32 to vector<16xi32>
    %gather3A_29 = tpu.vector_load_idx %arg6[%broadcast_in_dim3A_28] : memref<8857xf32, #tpu.memory_space<vmem>>[vector<16xi32>], vector<16xf32>,
    %broadcast_in_dim3A_30 = arith.constant 8849 : i32
    %broadcast_in_dim3A_31 = vector.broadcast %broadcast_in_dim3A_30 : i32 to vector<16xi32>
    %gather3A_32 = tpu.vector_load_idx %arg6[%broadcast_in_dim3A_31] : memref<8857xf32, #tpu.memory_space<vmem>>[vector<16xi32>], vector<16xf32>,
    %broadcast_in_dim3A_33 = arith.constant 8850 : i32
    %broadcast_in_dim3A_34 = vector.broadcast %broadcast_in_dim3A_33 : i32 to vector<16xi32>
    %gather3A_35 = tpu.vector_load_idx %arg6[%broadcast_in_dim3A_34] : memref<8857xf32, #tpu.memory_space<vmem>>[vector<16xi32>], vector<16xf32>,
    %parallel_loop3A = arith.constant 0 : i32
    %parallel_loop3A_36 = arith.constant 32 : i32
    %parallel_loop3A_37 = arith.constant 1 : i32
    scf.for %parallel_loop3A_38 = %parallel_loop3A to %parallel_loop3A_36 step %parallel_loop3A_37  : i32 {
      %parallel_loop3A_39 = arith.constant 16 : i32
      %parallel_loop3A_40 = arith.muli %parallel_loop3A_38, %parallel_loop3A_39 : i32
      %parallel_loop3A_41 = arith.index_cast %parallel_loop3A_40 : i32 to index
      %parallel_loop3A_42 = tpu.vector_load %arg5[%parallel_loop3A_41] {strides = array<i32>} : memref<512xi32, #tpu.memory_space<vmem>>, vector<16xi32>,
      %parallel_loop3A_43 = arith.constant 255 : i32
      %parallel_loop3A_44 = vector.broadcast %parallel_loop3A_43 : i32 to vector<16xi32>
      %parallel_loop3A_45 = arith.andi %parallel_loop3A_42, %parallel_loop3A_44 : vector<16xi32>
      %parallel_loop3A_46 = arith.constant 17 : i32
      %parallel_loop3A_47 = vector.broadcast %parallel_loop3A_46 : i32 to vector<16xi32>
      %parallel_loop3A_48 = arith.muli %parallel_loop3A_45, %parallel_loop3A_47 : vector<16xi32>
      %parallel_loop3A_49 = arith.constant 8 : i32
      %parallel_loop3A_50 = vector.broadcast %parallel_loop3A_49 : i32 to vector<16xi32>
      %parallel_loop3A_51 = arith.shrsi %parallel_loop3A_42, %parallel_loop3A_50 : vector<16xi32>
      %parallel_loop3A_52 = arith.constant 255 : i32
      %parallel_loop3A_53 = vector.broadcast %parallel_loop3A_52 : i32 to vector<16xi32>
      %parallel_loop3A_54 = arith.andi %parallel_loop3A_51, %parallel_loop3A_53 : vector<16xi32>
      %parallel_loop3A_55 = arith.constant 17 : i32
      %parallel_loop3A_56 = vector.broadcast %parallel_loop3A_55 : i32 to vector<16xi32>
      %parallel_loop3A_57 = arith.muli %parallel_loop3A_54, %parallel_loop3A_56 : vector<16xi32>
      %parallel_loop3A_58 = arith.constant 2873 : i32
      %parallel_loop3A_59 = vector.broadcast %parallel_loop3A_58 : i32 to vector<16xi32>
      %parallel_loop3A_60 = arith.addi %parallel_loop3A_57, %parallel_loop3A_59 : vector<16xi32>
      %parallel_loop3A_61 = arith.constant 16 : i32
      %parallel_loop3A_62 = vector.broadcast %parallel_loop3A_61 : i32 to vector<16xi32>
      %parallel_loop3A_63 = arith.shrsi %parallel_loop3A_42, %parallel_loop3A_62 : vector<16xi32>
      %parallel_loop3A_64 = arith.constant 255 : i32
      %parallel_loop3A_65 = vector.broadcast %parallel_loop3A_64 : i32 to vector<16xi32>
      %parallel_loop3A_66 = arith.andi %parallel_loop3A_63, %parallel_loop3A_65 : vector<16xi32>
      %parallel_loop3A_67 = arith.constant 17 : i32
      %parallel_loop3A_68 = vector.broadcast %parallel_loop3A_67 : i32 to vector<16xi32>
      %parallel_loop3A_69 = arith.muli %parallel_loop3A_66, %parallel_loop3A_68 : vector<16xi32>
      %parallel_loop3A_70 = arith.constant 5746 : i32
      %parallel_loop3A_71 = vector.broadcast %parallel_loop3A_70 : i32 to vector<16xi32>
      %parallel_loop3A_72 = arith.addi %parallel_loop3A_69, %parallel_loop3A_71 : vector<16xi32>
      %parallel_loop3A_73 = arith.constant 24 : i32
      %parallel_loop3A_74 = vector.broadcast %parallel_loop3A_73 : i32 to vector<16xi32>
      %parallel_loop3A_75 = arith.shrsi %parallel_loop3A_42, %parallel_loop3A_74 : vector<16xi32>
      %parallel_loop3A_76 = arith.constant 17 : i32
      %parallel_loop3A_77 = vector.broadcast %parallel_loop3A_76 : i32 to vector<16xi32>
      %parallel_loop3A_78 = arith.muli %parallel_loop3A_75, %parallel_loop3A_77 : vector<16xi32>
      %parallel_loop3A_79 = arith.constant 8619 : i32
      %parallel_loop3A_80 = vector.broadcast %parallel_loop3A_79 : i32 to vector<16xi32>
      %parallel_loop3A_81 = arith.addi %parallel_loop3A_78, %parallel_loop3A_80 : vector<16xi32>
      %parallel_loop3A_82 = arith.constant 0 : i32
      %parallel_loop3A_83 = vector.broadcast %parallel_loop3A_82 : i32 to vector<16xi32>
      %parallel_loop3A_84 = arith.addi %parallel_loop3A_48, %parallel_loop3A_83 : vector<16xi32>
      %parallel_loop3A_85 = tpu.vector_load_idx %arg6[%parallel_loop3A_84] : memref<8857xf32, #tpu.memory_space<vmem>>[vector<16xi32>], vector<16xf32>,
      %parallel_loop3A_86 = arith.constant 0 : i32
      %parallel_loop3A_87 = vector.broadcast %parallel_loop3A_86 : i32 to vector<16xi32>
      %parallel_loop3A_88 = arith.addi %parallel_loop3A_60, %parallel_loop3A_87 : vector<16xi32>
      %parallel_loop3A_89 = tpu.vector_load_idx %arg6[%parallel_loop3A_88] : memref<8857xf32, #tpu.memory_space<vmem>>[vector<16xi32>], vector<16xf32>,
      %parallel_loop3A_90 = arith.addf %parallel_loop3A_85, %parallel_loop3A_89 : vector<16xf32>
      %parallel_loop3A_91 = arith.constant 0 : i32
      %parallel_loop3A_92 = vector.broadcast %parallel_loop3A_91 : i32 to vector<16xi32>
      %parallel_loop3A_93 = arith.addi %parallel_loop3A_72, %parallel_loop3A_92 : vector<16xi32>
      %parallel_loop3A_94 = tpu.vector_load_idx %arg6[%parallel_loop3A_93] : memref<8857xf32, #tpu.memory_space<vmem>>[vector<16xi32>], vector<16xf32>,
      %parallel_loop3A_95 = arith.addf %parallel_loop3A_90, %parallel_loop3A_94 : vector<16xf32>
      %parallel_loop3A_96 = arith.constant 0 : i32
      %parallel_loop3A_97 = vector.broadcast %parallel_loop3A_96 : i32 to vector<16xi32>
      %parallel_loop3A_98 = arith.addi %parallel_loop3A_81, %parallel_loop3A_97 : vector<16xi32>
      %parallel_loop3A_99 = tpu.vector_load_idx %arg6[%parallel_loop3A_98] : memref<8857xf32, #tpu.memory_space<vmem>>[vector<16xi32>], vector<16xf32>,
      %parallel_loop3A_100 = arith.addf %parallel_loop3A_95, %parallel_loop3A_99 : vector<16xf32>
      %parallel_loop3A_101 = arith.constant 0.000000e+00 : f32
      %parallel_loop3A_102 = vector.broadcast %parallel_loop3A_101 : f32 to vector<16xf32>
      %parallel_loop3A_103 = arith.maximumf %parallel_loop3A_100, %parallel_loop3A_102 : vector<16xf32>
      %parallel_loop3A_104 = arith.mulf %gather3A, %parallel_loop3A_103 : vector<16xf32>
      %parallel_loop3A_105 = arith.addf %gather3A_35, %parallel_loop3A_104 : vector<16xf32>
      %parallel_loop3A_106 = arith.constant 1 : i32
      %parallel_loop3A_107 = vector.broadcast %parallel_loop3A_106 : i32 to vector<16xi32>
      %parallel_loop3A_108 = arith.addi %parallel_loop3A_48, %parallel_loop3A_107 : vector<16xi32>
      %parallel_loop3A_109 = tpu.vector_load_idx %arg6[%parallel_loop3A_108] : memref<8857xf32, #tpu.memory_space<vmem>>[vector<16xi32>], vector<16xf32>,
      %parallel_loop3A_110 = arith.constant 1 : i32
      %parallel_loop3A_111 = vector.broadcast %parallel_loop3A_110 : i32 to vector<16xi32>
      %parallel_loop3A_112 = arith.addi %parallel_loop3A_60, %parallel_loop3A_111 : vector<16xi32>
      %parallel_loop3A_113 = tpu.vector_load_idx %arg6[%parallel_loop3A_112] : memref<8857xf32, #tpu.memory_space<vmem>>[vector<16xi32>], vector<16xf32>,
      %parallel_loop3A_114 = arith.addf %parallel_loop3A_109, %parallel_loop3A_113 : vector<16xf32>
      %parallel_loop3A_115 = arith.constant 1 : i32
      %parallel_loop3A_116 = vector.broadcast %parallel_loop3A_115 : i32 to vector<16xi32>
      %parallel_loop3A_117 = arith.addi %parallel_loop3A_72, %parallel_loop3A_116 : vector<16xi32>
      %parallel_loop3A_118 = tpu.vector_load_idx %arg6[%parallel_loop3A_117] : memref<8857xf32, #tpu.memory_space<vmem>>[vector<16xi32>], vector<16xf32>,
      %parallel_loop3A_119 = arith.addf %parallel_loop3A_114, %parallel_loop3A_118 : vector<16xf32>
      %parallel_loop3A_120 = arith.constant 1 : i32
      %parallel_loop3A_121 = vector.broadcast %parallel_loop3A_120 : i32 to vector<16xi32>
      %parallel_loop3A_122 = arith.addi %parallel_loop3A_81, %parallel_loop3A_121 : vector<16xi32>
      %parallel_loop3A_123 = tpu.vector_load_idx %arg6[%parallel_loop3A_122] : memref<8857xf32, #tpu.memory_space<vmem>>[vector<16xi32>], vector<16xf32>,
      %parallel_loop3A_124 = arith.addf %parallel_loop3A_119, %parallel_loop3A_123 : vector<16xf32>
      %parallel_loop3A_125 = arith.constant 0.000000e+00 : f32
      %parallel_loop3A_126 = vector.broadcast %parallel_loop3A_125 : f32 to vector<16xf32>
      %parallel_loop3A_127 = arith.maximumf %parallel_loop3A_124, %parallel_loop3A_126 : vector<16xf32>
      %parallel_loop3A_128 = arith.mulf %gather3A_8, %parallel_loop3A_127 : vector<16xf32>
      %parallel_loop3A_129 = arith.addf %parallel_loop3A_105, %parallel_loop3A_128 : vector<16xf32>
      %parallel_loop3A_130 = arith.constant 2 : i32
      %parallel_loop3A_131 = vector.broadcast %parallel_loop3A_130 : i32 to vector<16xi32>
      %parallel_loop3A_132 = arith.addi %parallel_loop3A_48, %parallel_loop3A_131 : vector<16xi32>
      %parallel_loop3A_133 = tpu.vector_load_idx %arg6[%parallel_loop3A_132] : memref<8857xf32, #tpu.memory_space<vmem>>[vector<16xi32>], vector<16xf32>,
      %parallel_loop3A_134 = arith.constant 2 : i32
      %parallel_loop3A_135 = vector.broadcast %parallel_loop3A_134 : i32 to vector<16xi32>
      %parallel_loop3A_136 = arith.addi %parallel_loop3A_60, %parallel_loop3A_135 : vector<16xi32>
      %parallel_loop3A_137 = tpu.vector_load_idx %arg6[%parallel_loop3A_136] : memref<8857xf32, #tpu.memory_space<vmem>>[vector<16xi32>], vector<16xf32>,
      %parallel_loop3A_138 = arith.addf %parallel_loop3A_133, %parallel_loop3A_137 : vector<16xf32>
      %parallel_loop3A_139 = arith.constant 2 : i32
      %parallel_loop3A_140 = vector.broadcast %parallel_loop3A_139 : i32 to vector<16xi32>
      %parallel_loop3A_141 = arith.addi %parallel_loop3A_72, %parallel_loop3A_140 : vector<16xi32>
      %parallel_loop3A_142 = tpu.vector_load_idx %arg6[%parallel_loop3A_141] : memref<8857xf32, #tpu.memory_space<vmem>>[vector<16xi32>], vector<16xf32>,
      %parallel_loop3A_143 = arith.addf %parallel_loop3A_138, %parallel_loop3A_142 : vector<16xf32>
      %parallel_loop3A_144 = arith.constant 2 : i32
      %parallel_loop3A_145 = vector.broadcast %parallel_loop3A_144 : i32 to vector<16xi32>
      %parallel_loop3A_146 = arith.addi %parallel_loop3A_81, %parallel_loop3A_145 : vector<16xi32>
      %parallel_loop3A_147 = tpu.vector_load_idx %arg6[%parallel_loop3A_146] : memref<8857xf32, #tpu.memory_space<vmem>>[vector<16xi32>], vector<16xf32>,
      %parallel_loop3A_148 = arith.addf %parallel_loop3A_143, %parallel_loop3A_147 : vector<16xf32>
      %parallel_loop3A_149 = arith.constant 0.000000e+00 : f32
      %parallel_loop3A_150 = vector.broadcast %parallel_loop3A_149 : f32 to vector<16xf32>
      %parallel_loop3A_151 = arith.maximumf %parallel_loop3A_148, %parallel_loop3A_150 : vector<16xf32>
      %parallel_loop3A_152 = arith.mulf %gather3A_11, %parallel_loop3A_151 : vector<16xf32>
      %parallel_loop3A_153 = arith.addf %parallel_loop3A_129, %parallel_loop3A_152 : vector<16xf32>
      %parallel_loop3A_154 = arith.constant 3 : i32
      %parallel_loop3A_155 = vector.broadcast %parallel_loop3A_154 : i32 to vector<16xi32>
      %parallel_loop3A_156 = arith.addi %parallel_loop3A_48, %parallel_loop3A_155 : vector<16xi32>
      %parallel_loop3A_157 = tpu.vector_load_idx %arg6[%parallel_loop3A_156] : memref<8857xf32, #tpu.memory_space<vmem>>[vector<16xi32>], vector<16xf32>,
      %parallel_loop3A_158 = arith.constant 3 : i32
      %parallel_loop3A_159 = vector.broadcast %parallel_loop3A_158 : i32 to vector<16xi32>
      %parallel_loop3A_160 = arith.addi %parallel_loop3A_60, %parallel_loop3A_159 : vector<16xi32>
      %parallel_loop3A_161 = tpu.vector_load_idx %arg6[%parallel_loop3A_160] : memref<8857xf32, #tpu.memory_space<vmem>>[vector<16xi32>], vector<16xf32>,
      %parallel_loop3A_162 = arith.addf %parallel_loop3A_157, %parallel_loop3A_161 : vector<16xf32>
      %parallel_loop3A_163 = arith.constant 3 : i32
      %parallel_loop3A_164 = vector.broadcast %parallel_loop3A_163 : i32 to vector<16xi32>
      %parallel_loop3A_165 = arith.addi %parallel_loop3A_72, %parallel_loop3A_164 : vector<16xi32>
      %parallel_loop3A_166 = tpu.vector_load_idx %arg6[%parallel_loop3A_165] : memref<8857xf32, #tpu.memory_space<vmem>>[vector<16xi32>], vector<16xf32>,
      %parallel_loop3A_167 = arith.addf %parallel_loop3A_162, %parallel_loop3A_166 : vector<16xf32>
      %parallel_loop3A_168 = arith.constant 3 : i32
      %parallel_loop3A_169 = vector.broadcast %parallel_loop3A_168 : i32 to vector<16xi32>
      %parallel_loop3A_170 = arith.addi %parallel_loop3A_81, %parallel_loop3A_169 : vector<16xi32>
      %parallel_loop3A_171 = tpu.vector_load_idx %arg6[%parallel_loop3A_170] : memref<8857xf32, #tpu.memory_space<vmem>>[vector<16xi32>], vector<16xf32>,
      %parallel_loop3A_172 = arith.addf %parallel_loop3A_167, %parallel_loop3A_171 : vector<16xf32>
      %parallel_loop3A_173 = arith.constant 0.000000e+00 : f32
      %parallel_loop3A_174 = vector.broadcast %parallel_loop3A_173 : f32 to vector<16xf32>
      %parallel_loop3A_175 = arith.maximumf %parallel_loop3A_172, %parallel_loop3A_174 : vector<16xf32>
      %parallel_loop3A_176 = arith.mulf %gather3A_14, %parallel_loop3A_175 : vector<16xf32>
      %parallel_loop3A_177 = arith.addf %parallel_loop3A_153, %parallel_loop3A_176 : vector<16xf32>
      %parallel_loop3A_178 = arith.constant 4 : i32
      %parallel_loop3A_179 = vector.broadcast %parallel_loop3A_178 : i32 to vector<16xi32>
      %parallel_loop3A_180 = arith.addi %parallel_loop3A_48, %parallel_loop3A_179 : vector<16xi32>
      %parallel_loop3A_181 = tpu.vector_load_idx %arg6[%parallel_loop3A_180] : memref<8857xf32, #tpu.memory_space<vmem>>[vector<16xi32>], vector<16xf32>,
      %parallel_loop3A_182 = arith.constant 4 : i32
      %parallel_loop3A_183 = vector.broadcast %parallel_loop3A_182 : i32 to vector<16xi32>
      %parallel_loop3A_184 = arith.addi %parallel_loop3A_60, %parallel_loop3A_183 : vector<16xi32>
      %parallel_loop3A_185 = tpu.vector_load_idx %arg6[%parallel_loop3A_184] : memref<8857xf32, #tpu.memory_space<vmem>>[vector<16xi32>], vector<16xf32>,
      %parallel_loop3A_186 = arith.addf %parallel_loop3A_181, %parallel_loop3A_185 : vector<16xf32>
      %parallel_loop3A_187 = arith.constant 4 : i32
      %parallel_loop3A_188 = vector.broadcast %parallel_loop3A_187 : i32 to vector<16xi32>
      %parallel_loop3A_189 = arith.addi %parallel_loop3A_72, %parallel_loop3A_188 : vector<16xi32>
      %parallel_loop3A_190 = tpu.vector_load_idx %arg6[%parallel_loop3A_189] : memref<8857xf32, #tpu.memory_space<vmem>>[vector<16xi32>], vector<16xf32>,
      %parallel_loop3A_191 = arith.addf %parallel_loop3A_186, %parallel_loop3A_190 : vector<16xf32>
      %parallel_loop3A_192 = arith.constant 4 : i32
      %parallel_loop3A_193 = vector.broadcast %parallel_loop3A_192 : i32 to vector<16xi32>
      %parallel_loop3A_194 = arith.addi %parallel_loop3A_81, %parallel_loop3A_193 : vector<16xi32>
      %parallel_loop3A_195 = tpu.vector_load_idx %arg6[%parallel_loop3A_194] : memref<8857xf32, #tpu.memory_space<vmem>>[vector<16xi32>], vector<16xf32>,
      %parallel_loop3A_196 = arith.addf %parallel_loop3A_191, %parallel_loop3A_195 : vector<16xf32>
      %parallel_loop3A_197 = arith.constant 0.000000e+00 : f32
      %parallel_loop3A_198 = vector.broadcast %parallel_loop3A_197 : f32 to vector<16xf32>
      %parallel_loop3A_199 = arith.maximumf %parallel_loop3A_196, %parallel_loop3A_198 : vector<16xf32>
      %parallel_loop3A_200 = arith.mulf %gather3A_17, %parallel_loop3A_199 : vector<16xf32>
      %parallel_loop3A_201 = arith.addf %parallel_loop3A_177, %parallel_loop3A_200 : vector<16xf32>
      %parallel_loop3A_202 = arith.constant 5 : i32
      %parallel_loop3A_203 = vector.broadcast %parallel_loop3A_202 : i32 to vector<16xi32>
      %parallel_loop3A_204 = arith.addi %parallel_loop3A_48, %parallel_loop3A_203 : vector<16xi32>
      %parallel_loop3A_205 = tpu.vector_load_idx %arg6[%parallel_loop3A_204] : memref<8857xf32, #tpu.memory_space<vmem>>[vector<16xi32>], vector<16xf32>,
      %parallel_loop3A_206 = arith.constant 5 : i32
      %parallel_loop3A_207 = vector.broadcast %parallel_loop3A_206 : i32 to vector<16xi32>
      %parallel_loop3A_208 = arith.addi %parallel_loop3A_60, %parallel_loop3A_207 : vector<16xi32>
      %parallel_loop3A_209 = tpu.vector_load_idx %arg6[%parallel_loop3A_208] : memref<8857xf32, #tpu.memory_space<vmem>>[vector<16xi32>], vector<16xf32>,
      %parallel_loop3A_210 = arith.addf %parallel_loop3A_205, %parallel_loop3A_209 : vector<16xf32>
      %parallel_loop3A_211 = arith.constant 5 : i32
      %parallel_loop3A_212 = vector.broadcast %parallel_loop3A_211 : i32 to vector<16xi32>
      %parallel_loop3A_213 = arith.addi %parallel_loop3A_72, %parallel_loop3A_212 : vector<16xi32>
      %parallel_loop3A_214 = tpu.vector_load_idx %arg6[%parallel_loop3A_213] : memref<8857xf32, #tpu.memory_space<vmem>>[vector<16xi32>], vector<16xf32>,
      %parallel_loop3A_215 = arith.addf %parallel_loop3A_210, %parallel_loop3A_214 : vector<16xf32>
      %parallel_loop3A_216 = arith.constant 5 : i32
      %parallel_loop3A_217 = vector.broadcast %parallel_loop3A_216 : i32 to vector<16xi32>
      %parallel_loop3A_218 = arith.addi %parallel_loop3A_81, %parallel_loop3A_217 : vector<16xi32>
      %parallel_loop3A_219 = tpu.vector_load_idx %arg6[%parallel_loop3A_218] : memref<8857xf32, #tpu.memory_space<vmem>>[vector<16xi32>], vector<16xf32>,
      %parallel_loop3A_220 = arith.addf %parallel_loop3A_215, %parallel_loop3A_219 : vector<16xf32>
      %parallel_loop3A_221 = arith.constant 0.000000e+00 : f32
      %parallel_loop3A_222 = vector.broadcast %parallel_loop3A_221 : f32 to vector<16xf32>
      %parallel_loop3A_223 = arith.maximumf %parallel_loop3A_220, %parallel_loop3A_222 : vector<16xf32>
      %parallel_loop3A_224 = arith.mulf %gather3A_20, %parallel_loop3A_223 : vector<16xf32>
      %parallel_loop3A_225 = arith.addf %parallel_loop3A_201, %parallel_loop3A_224 : vector<16xf32>
      %parallel_loop3A_226 = arith.constant 6 : i32
      %parallel_loop3A_227 = vector.broadcast %parallel_loop3A_226 : i32 to vector<16xi32>
      %parallel_loop3A_228 = arith.addi %parallel_loop3A_48, %parallel_loop3A_227 : vector<16xi32>
      %parallel_loop3A_229 = tpu.vector_load_idx %arg6[%parallel_loop3A_228] : memref<8857xf32, #tpu.memory_space<vmem>>[vector<16xi32>], vector<16xf32>,
      %parallel_loop3A_230 = arith.constant 6 : i32
      %parallel_loop3A_231 = vector.broadcast %parallel_loop3A_230 : i32 to vector<16xi32>
      %parallel_loop3A_232 = arith.addi %parallel_loop3A_60, %parallel_loop3A_231 : vector<16xi32>
      %parallel_loop3A_233 = tpu.vector_load_idx %arg6[%parallel_loop3A_232] : memref<8857xf32, #tpu.memory_space<vmem>>[vector<16xi32>], vector<16xf32>,
      %parallel_loop3A_234 = arith.addf %parallel_loop3A_229, %parallel_loop3A_233 : vector<16xf32>
      %parallel_loop3A_235 = arith.constant 6 : i32
      %parallel_loop3A_236 = vector.broadcast %parallel_loop3A_235 : i32 to vector<16xi32>
      %parallel_loop3A_237 = arith.addi %parallel_loop3A_72, %parallel_loop3A_236 : vector<16xi32>
      %parallel_loop3A_238 = tpu.vector_load_idx %arg6[%parallel_loop3A_237] : memref<8857xf32, #tpu.memory_space<vmem>>[vector<16xi32>], vector<16xf32>,
      %parallel_loop3A_239 = arith.addf %parallel_loop3A_234, %parallel_loop3A_238 : vector<16xf32>
      %parallel_loop3A_240 = arith.constant 6 : i32
      %parallel_loop3A_241 = vector.broadcast %parallel_loop3A_240 : i32 to vector<16xi32>
      %parallel_loop3A_242 = arith.addi %parallel_loop3A_81, %parallel_loop3A_241 : vector<16xi32>
      %parallel_loop3A_243 = tpu.vector_load_idx %arg6[%parallel_loop3A_242] : memref<8857xf32, #tpu.memory_space<vmem>>[vector<16xi32>], vector<16xf32>,
      %parallel_loop3A_244 = arith.addf %parallel_loop3A_239, %parallel_loop3A_243 : vector<16xf32>
      %parallel_loop3A_245 = arith.constant 0.000000e+00 : f32
      %parallel_loop3A_246 = vector.broadcast %parallel_loop3A_245 : f32 to vector<16xf32>
      %parallel_loop3A_247 = arith.maximumf %parallel_loop3A_244, %parallel_loop3A_246 : vector<16xf32>
      %parallel_loop3A_248 = arith.mulf %gather3A_23, %parallel_loop3A_247 : vector<16xf32>
      %parallel_loop3A_249 = arith.addf %parallel_loop3A_225, %parallel_loop3A_248 : vector<16xf32>
      %parallel_loop3A_250 = arith.constant 7 : i32
      %parallel_loop3A_251 = vector.broadcast %parallel_loop3A_250 : i32 to vector<16xi32>
      %parallel_loop3A_252 = arith.addi %parallel_loop3A_48, %parallel_loop3A_251 : vector<16xi32>
      %parallel_loop3A_253 = tpu.vector_load_idx %arg6[%parallel_loop3A_252] : memref<8857xf32, #tpu.memory_space<vmem>>[vector<16xi32>], vector<16xf32>,
      %parallel_loop3A_254 = arith.constant 7 : i32
      %parallel_loop3A_255 = vector.broadcast %parallel_loop3A_254 : i32 to vector<16xi32>
      %parallel_loop3A_256 = arith.addi %parallel_loop3A_60, %parallel_loop3A_255 : vector<16xi32>
      %parallel_loop3A_257 = tpu.vector_load_idx %arg6[%parallel_loop3A_256] : memref<8857xf32, #tpu.memory_space<vmem>>[vector<16xi32>], vector<16xf32>,
      %parallel_loop3A_258 = arith.addf %parallel_loop3A_253, %parallel_loop3A_257 : vector<16xf32>
      %parallel_loop3A_259 = arith.constant 7 : i32
      %parallel_loop3A_260 = vector.broadcast %parallel_loop3A_259 : i32 to vector<16xi32>
      %parallel_loop3A_261 = arith.addi %parallel_loop3A_72, %parallel_loop3A_260 : vector<16xi32>
      %parallel_loop3A_262 = tpu.vector_load_idx %arg6[%parallel_loop3A_261] : memref<8857xf32, #tpu.memory_space<vmem>>[vector<16xi32>], vector<16xf32>,
      %parallel_loop3A_263 = arith.addf %parallel_loop3A_258, %parallel_loop3A_262 : vector<16xf32>
      %parallel_loop3A_264 = arith.constant 7 : i32
      %parallel_loop3A_265 = vector.broadcast %parallel_loop3A_264 : i32 to vector<16xi32>
      %parallel_loop3A_266 = arith.addi %parallel_loop3A_81, %parallel_loop3A_265 : vector<16xi32>
      %parallel_loop3A_267 = tpu.vector_load_idx %arg6[%parallel_loop3A_266] : memref<8857xf32, #tpu.memory_space<vmem>>[vector<16xi32>], vector<16xf32>,
      %parallel_loop3A_268 = arith.addf %parallel_loop3A_263, %parallel_loop3A_267 : vector<16xf32>
      %parallel_loop3A_269 = arith.constant 0.000000e+00 : f32
      %parallel_loop3A_270 = vector.broadcast %parallel_loop3A_269 : f32 to vector<16xf32>
      %parallel_loop3A_271 = arith.maximumf %parallel_loop3A_268, %parallel_loop3A_270 : vector<16xf32>
      %parallel_loop3A_272 = arith.mulf %gather3A_26, %parallel_loop3A_271 : vector<16xf32>
      %parallel_loop3A_273 = arith.addf %parallel_loop3A_249, %parallel_loop3A_272 : vector<16xf32>
      %parallel_loop3A_274 = arith.constant 8 : i32
      %parallel_loop3A_275 = vector.broadcast %parallel_loop3A_274 : i32 to vector<16xi32>
      %parallel_loop3A_276 = arith.addi %parallel_loop3A_48, %parallel_loop3A_275 : vector<16xi32>
      %parallel_loop3A_277 = tpu.vector_load_idx %arg6[%parallel_loop3A_276] : memref<8857xf32, #tpu.memory_space<vmem>>[vector<16xi32>], vector<16xf32>,
      %parallel_loop3A_278 = arith.constant 8 : i32
      %parallel_loop3A_279 = vector.broadcast %parallel_loop3A_278 : i32 to vector<16xi32>
      %parallel_loop3A_280 = arith.addi %parallel_loop3A_60, %parallel_loop3A_279 : vector<16xi32>
      %parallel_loop3A_281 = tpu.vector_load_idx %arg6[%parallel_loop3A_280] : memref<8857xf32, #tpu.memory_space<vmem>>[vector<16xi32>], vector<16xf32>,
      %parallel_loop3A_282 = arith.addf %parallel_loop3A_277, %parallel_loop3A_281 : vector<16xf32>
      %parallel_loop3A_283 = arith.constant 8 : i32
      %parallel_loop3A_284 = vector.broadcast %parallel_loop3A_283 : i32 to vector<16xi32>
      %parallel_loop3A_285 = arith.addi %parallel_loop3A_72, %parallel_loop3A_284 : vector<16xi32>
      %parallel_loop3A_286 = tpu.vector_load_idx %arg6[%parallel_loop3A_285] : memref<8857xf32, #tpu.memory_space<vmem>>[vector<16xi32>], vector<16xf32>,
      %parallel_loop3A_287 = arith.addf %parallel_loop3A_282, %parallel_loop3A_286 : vector<16xf32>
      %parallel_loop3A_288 = arith.constant 8 : i32
      %parallel_loop3A_289 = vector.broadcast %parallel_loop3A_288 : i32 to vector<16xi32>
      %parallel_loop3A_290 = arith.addi %parallel_loop3A_81, %parallel_loop3A_289 : vector<16xi32>
      %parallel_loop3A_291 = tpu.vector_load_idx %arg6[%parallel_loop3A_290] : memref<8857xf32, #tpu.memory_space<vmem>>[vector<16xi32>], vector<16xf32>,
      %parallel_loop3A_292 = arith.addf %parallel_loop3A_287, %parallel_loop3A_291 : vector<16xf32>
      %parallel_loop3A_293 = arith.constant 0.000000e+00 : f32
      %parallel_loop3A_294 = vector.broadcast %parallel_loop3A_293 : f32 to vector<16xf32>
      %parallel_loop3A_295 = arith.maximumf %parallel_loop3A_292, %parallel_loop3A_294 : vector<16xf32>
      %parallel_loop3A_296 = arith.mulf %gather3A_29, %parallel_loop3A_295 : vector<16xf32>
      %parallel_loop3A_297 = arith.addf %parallel_loop3A_273, %parallel_loop3A_296 : vector<16xf32>
      %parallel_loop3A_298 = arith.constant 9 : i32
      %parallel_loop3A_299 = vector.broadcast %parallel_loop3A_298 : i32 to vector<16xi32>
      %parallel_loop3A_300 = arith.addi %parallel_loop3A_48, %parallel_loop3A_299 : vector<16xi32>
      %parallel_loop3A_301 = tpu.vector_load_idx %arg6[%parallel_loop3A_300] : memref<8857xf32, #tpu.memory_space<vmem>>[vector<16xi32>], vector<16xf32>,
      %parallel_loop3A_302 = arith.constant 9 : i32
      %parallel_loop3A_303 = vector.broadcast %parallel_loop3A_302 : i32 to vector<16xi32>
      %parallel_loop3A_304 = arith.addi %parallel_loop3A_60, %parallel_loop3A_303 : vector<16xi32>
      %parallel_loop3A_305 = tpu.vector_load_idx %arg6[%parallel_loop3A_304] : memref<8857xf32, #tpu.memory_space<vmem>>[vector<16xi32>], vector<16xf32>,
      %parallel_loop3A_306 = arith.addf %parallel_loop3A_301, %parallel_loop3A_305 : vector<16xf32>
      %parallel_loop3A_307 = arith.constant 9 : i32
      %parallel_loop3A_308 = vector.broadcast %parallel_loop3A_307 : i32 to vector<16xi32>
      %parallel_loop3A_309 = arith.addi %parallel_loop3A_72, %parallel_loop3A_308 : vector<16xi32>
      %parallel_loop3A_310 = tpu.vector_load_idx %arg6[%parallel_loop3A_309] : memref<8857xf32, #tpu.memory_space<vmem>>[vector<16xi32>], vector<16xf32>,
      %parallel_loop3A_311 = arith.addf %parallel_loop3A_306, %parallel_loop3A_310 : vector<16xf32>
      %parallel_loop3A_312 = arith.constant 9 : i32
      %parallel_loop3A_313 = vector.broadcast %parallel_loop3A_312 : i32 to vector<16xi32>
      %parallel_loop3A_314 = arith.addi %parallel_loop3A_81, %parallel_loop3A_313 : vector<16xi32>
      %parallel_loop3A_315 = tpu.vector_load_idx %arg6[%parallel_loop3A_314] : memref<8857xf32, #tpu.memory_space<vmem>>[vector<16xi32>], vector<16xf32>,
      %parallel_loop3A_316 = arith.addf %parallel_loop3A_311, %parallel_loop3A_315 : vector<16xf32>
      %parallel_loop3A_317 = arith.constant 0.000000e+00 : f32
      %parallel_loop3A_318 = vector.broadcast %parallel_loop3A_317 : f32 to vector<16xf32>
      %parallel_loop3A_319 = arith.maximumf %parallel_loop3A_316, %parallel_loop3A_318 : vector<16xf32>
      %parallel_loop3A_320 = arith.mulf %gather3A_32, %parallel_loop3A_319 : vector<16xf32>
      %parallel_loop3A_321 = arith.addf %parallel_loop3A_297, %parallel_loop3A_320 : vector<16xf32>
      %parallel_loop3A_322 = arith.constant 16 : i32
      %parallel_loop3A_323 = arith.muli %parallel_loop3A_38, %parallel_loop3A_322 : i32
      %parallel_loop3A_324 = arith.index_cast %parallel_loop3A_323 : i32 to index
      %parallel_loop3A_325 = tpu.vector_load %arg7[%parallel_loop3A_324] {strides = array<i32>} : memref<512xf32, #tpu.memory_space<vmem>>, vector<16xf32>,
      tpu.vector_store %arg7[%parallel_loop3A_324], %parallel_loop3A_321 {strides = array<i32>} : memref<512xf32, #tpu.memory_space<vmem>>, vector<16xf32>,
    } {sc.loop_unroll_factor = 4 : i64, sc.parallel_access}
    "tpu.region"() ({
      %run_scoped3A = tpu.sem_alloc : memref<!tpu.dma_semaphore, #tpu.memory_space<semaphore_mem>>
      %dma_start3A_38 = tpu.memref_slice %arg4[%mul3A_2] : memref<16384xf32, #tpu.memory_space<hbm>> -> memref<512xf32, #tpu.memory_space<hbm>>
      %dma_start3A_39 = tpu.memref_slice %arg4[%mul3A_2] : memref<16384xf32, #tpu.memory_space<hbm>> -> memref<512xf32, #tpu.memory_space<hbm>>
      tpu.enqueue_dma source(%arg7 : memref<512xf32, #tpu.memory_space<vmem>>) target(%dma_start3A_39 : memref<512xf32, #tpu.memory_space<hbm>>) target_semaphore(%run_scoped3A : memref<!tpu.dma_semaphore, #tpu.memory_space<semaphore_mem>>)
      %dma_wait3A_40 = tpu.memref_slice %arg4[%mul3A_2] : memref<16384xf32, #tpu.memory_space<hbm>> -> memref<512xf32, #tpu.memory_space<hbm>>
      %dma_wait3A_41 = tpu.memref_slice %arg4[%mul3A_2] : memref<16384xf32, #tpu.memory_space<hbm>> -> memref<512xf32, #tpu.memory_space<hbm>>
      tpu.wait_dma2 semaphore(%run_scoped3A : memref<!tpu.dma_semaphore, #tpu.memory_space<semaphore_mem>>) src(%arg7 : memref<512xf32, #tpu.memory_space<vmem>>) dst(%dma_wait3A_41 : memref<512xf32, #tpu.memory_space<hbm>>)
      tpu.yield
    }) : () -> ()
    return
  }
}

</mosaic_0001>

<sc_bundles>
// kernel: kernel.3.cloned.1.call-start
scs
__scs_entry_jumppad:
0x0: {  	(pc) =	sbr.rel $0x88, $3  }
0x1: {  	(tag) =	ssettag $0x0;
	lr =	simm.s32 $0x1  }
0x2: {  	[smem:$0x3F9B] =	sst lr;
	_ =	strace $0xD0000000  }
0x3: {  	_ = 	snop  }
0x4: {  	_ = 	snop  }
0x5: {  	_ = 	snop  }
0x6: {  	_ = 	snop  }
0x7: {  	_ = 	snop  }
__scs_overlays_trampoline_lowered:
0x8: {  	[smem:$0x3FAA] =	sst s0  }
0x9: {  	[smem:$0x3FAB] =	sst s1  }
0xa: {  	[smem:$0x3FAC] =	sst s2  }
0xb: {  	[smem:$0x3FAD] =	sst s3  }
0xc: {  	[smem:$0x3FAE] =	sst s4  }
0xd: {  	[smem:$0x3FAF] =	sst s5  }
0xe: {  	[smem:$0x3FB0] =	sst s6  }
0xf: {  	[smem:$0x3FB1] =	sst s7  }
0x10: {  	[smem:$0x3FB2] =	sst s8  }
0x11: {  	[smem:$0x3FB3] =	sst s9;
	s0 =	simm.s32 @!p0 $0x0  }
0x12: {  	s1 =	sld [smem:$0x3F99];
	s0 =	simm.s32 @p0 $0x1  }
0x13: {  	[smem:$0x3FB4] =	sst s0;
	s0 =	simm.s32 @!p1 $0x0  }
0x14: {  	s2 =	sld [smem:$0x3F98];
	s0 =	simm.s32 @p1 $0x1  }
0x15: {  	[smem:$0x3FB5] =	sst s0;
	s0 =	simm.s32 @!p2 $0x0  }
0x16: {  	s3 =	sld [smem:$0x3FDB];
	s0 =	simm.s32 @p2 $0x1  }
0x17: {  	s4 =	simm.s32 $0x1BF5;
	[smem:$0x3FB7] =	sst s0  }
0x18: {  	s0 =	sld [smem:$0x3F9A];
	_ =	swait.ge [sflag:s4], $0x0  }
0x19: {  	s7 =	sld [smem:$0x3F9B]  }
0x1a: {  	s8 =	sadd.s32 $0xFFFFE003, lr  }
0x1b: {  	s9 =	sadd.s32 $0xFFFFFEF7, lr;
	s5 =	simm.s32 $0xFFFFFFFF;
	p2 =	slt.u32 s8, $0xFFFFF086  }
0x1c: {  	p1 =	slt.u32 s9, $0xF7A;
	s5 =	simm.s32 @!p2 $0x0  }
0x1d: {  	s5 =	simm.s32 @p1 $0x1;
	p0 =	seq.s32 s7, s2  }
0x1e: {  	s7 =	smul.u32 @!p0 $0xF7A, s2;
	p2 =	seq.s32 @!p0 s5, $0x0  }
0x1f: {  	s9 =	smul.u32 $0xF7A, s1;
	s8 =	simm.s32 @!p0 $0x1BF5;
	p2 =	por !p2, p0  }
0x20: {  	[sflag:s8] =	ssyncset.s32 @!p0 $0xFFFFF086;
	s6 =	sadd.s32 @!p0 s3, s7;
	s7 =	simm.s32 @!p0 $0x108  }
0x21: {  	s3 =	sadd.s32 s3, s9;
	s6 =	sadd.s32 @!p0 $0x88, s6;
	s7 =	simm.s32 @p2 $0x1082  }
0x22: {  	[simem:s7], [sflag:s8] =	dma.local @!p0 [hbm:s6], $0xF7A  }
0x23: {  	s9 =	sor.u32 $0xD0000000, s2;
	s6 =	simm.s32 $0x108;
	_ =	swait.ge @!p0 [sflag:s8], $0x0  }
0x24: {  	s3 =	sadd.s32 $0x88, s3;
	s6 =	simm.s32 @!p1 $0x1082;
	[sflag:s4] =	ssyncset.s32 $0xFFFFF086  }
0x25: {  	[simem:s6], [sflag:s4] =	dma.local [hbm:s3], $0xF7A  }
0x26: {  	[smem:$0x3F9B] =	sst s1;
	(tag) =	ssettag s2;
	_ =	strace s9  }
0x27: {  	s1 =	sld [smem:$0x3FAB]  }
0x28: {  	s2 =	sld [smem:$0x3FAC]  }
0x29: {  	s4 =	sld [smem:$0x3FAE]  }
0x2a: {  	p0 =	seq.s32 s5, $0x0;
	s5 =	sld [smem:$0x3FAF]  }
0x2b: {  	s6 =	sld [smem:$0x3FB0]  }
0x2c: {  	s7 =	sld [smem:$0x3FB1]  }
0x2d: {  	s3 =	simm.s32 $0x108;
	s8 =	sld [smem:$0x3FB2]  }
0x2e: {  	s3 =	simm.s32 @!p0 $0x1082;
	s9 =	sld [smem:$0x3FB3]  }
0x2f: {  	lr =	sadd.s32 s0, s3;
	s0 =	sld [smem:$0x3FAA]  }
0x30: {  	s3 =	sld [smem:$0x3FAD]  }
0x31: {  	[smem:$0x3FB6] =	sst s10  }
0x32: {  	s10 =	sld [smem:$0x3FB4];
	_ =	sdelay $0x3  }
0x33: {  	p0 =	seq.s32 s10, $0x1;
	s10 =	sld [smem:$0x3FB6];
	_ =	sdelay $0x3  }
0x34: {  	[smem:$0x3FB6] =	sst s10  }
0x35: {  	s10 =	sld [smem:$0x3FB5];
	_ =	sdelay $0x3  }
0x36: {  	p1 =	seq.s32 s10, $0x1;
	s10 =	sld [smem:$0x3FB6];
	_ =	sdelay $0x3  }
0x37: {  	[smem:$0x3FB6] =	sst s10  }
0x38: {  	s10 =	sld [smem:$0x3FB7]  }
0x39: {  	_ = 	snop;
	(pc) =	sbr.ind lr, $3  }
0x3a: {  	_ = 	snop  }
0x3b: {  	_ = 	snop  }
0x3c: {  	p2 =	seq.s32 s10, $0x1;
	s10 =	sld [smem:$0x3FB6]  }
0x3d: {  	_ =	shalt  }
0x3e: {  	_ =	shalt  }
0x3f: {  	_ =	shalt  }
0x40: {  	_ =	shalt  }
0x41: {  	_ =	shalt  }
0x42: {  	_ =	shalt  }
0x43: {  	_ =	shalt  }
0x44: {  	_ =	shalt  }
0x45: {  	_ =	shalt  }
0x46: {  	_ =	shalt  }
0x47: {  	_ =	shalt  }
0x48: {  	_ =	shalt  }
0x49: {  	_ =	shalt  }
0x4a: {  	_ =	shalt  }
0x4b: {  	_ =	shalt  }
0x4c: {  	_ =	shalt  }
0x4d: {  	_ =	shalt  }
0x4e: {  	_ =	shalt  }
0x4f: {  	_ =	shalt  }
0x50: {  	_ =	shalt  }
0x51: {  	_ =	shalt  }
0x52: {  	_ =	shalt  }
0x53: {  	_ =	shalt  }
0x54: {  	_ =	shalt  }
0x55: {  	_ =	shalt  }
0x56: {  	_ =	shalt  }
0x57: {  	_ =	shalt  }
0x58: {  	_ =	shalt  }
0x59: {  	_ =	shalt  }
0x5a: {  	_ =	shalt  }
0x5b: {  	_ =	shalt  }
0x5c: {  	_ =	shalt  }
0x5d: {  	_ =	shalt  }
0x5e: {  	_ =	shalt  }
0x5f: {  	_ =	shalt  }
0x60: {  	_ =	shalt  }
0x61: {  	_ =	shalt  }
0x62: {  	_ =	shalt  }
0x63: {  	_ =	shalt  }
0x64: {  	_ =	shalt  }
0x65: {  	_ =	shalt  }
0x66: {  	_ =	shalt  }
0x67: {  	_ =	shalt  }
0x68: {  	_ =	shalt  }
0x69: {  	_ =	shalt  }
0x6a: {  	_ =	shalt  }
0x6b: {  	_ =	shalt  }
0x6c: {  	_ =	shalt  }
0x6d: {  	_ =	shalt  }
0x6e: {  	_ =	shalt  }
0x6f: {  	_ =	shalt  }
0x70: {  	_ =	shalt  }
0x71: {  	_ =	shalt  }
0x72: {  	_ =	shalt  }
0x73: {  	_ =	shalt  }
0x74: {  	_ =	shalt  }
0x75: {  	_ =	shalt  }
0x76: {  	_ =	shalt  }
0x77: {  	_ =	shalt  }
0x78: {  	_ =	shalt  }
0x79: {  	_ =	shalt  }
0x7a: {  	_ =	shalt  }
0x7b: {  	_ =	shalt  }
0x7c: {  	_ =	shalt  }
0x7d: {  	_ =	shalt  }
0x7e: {  	_ =	shalt  }
0x7f: {  	_ =	shalt  }
0x80: {  	_ =	shalt  }
0x81: {  	_ =	shalt  }
0x82: {  	_ =	shalt  }
0x83: {  	_ =	shalt  }
0x84: {  	_ =	shalt  }
0x85: {  	_ =	shalt  }
0x86: {  	_ =	shalt  }
0x87: {  	_ =	shalt  }
.Lfunc_end0:
.L_simem_size_0:
called_computation_lowered:
.L_overlay_start_0:
0x88: {  	s2 =	sld [smem:$0x3FD9]  }
0x89: {  	s3 =	sld [smem:$0x3FFE];
	_ =	sdelay $0x1  }
0x8a: {  	s1 =	srdreg.scid  }
0x8b: {  	s0 =	sand.u32 $0x1, s1  }
0x8c: {  	s17 =	sshll.u32 s0, $0xA;
	s2 =	sadd.s32 s3, s2  }
0x8d: {  	s2 =	sadd.s32 s2, s17  }
0x8e: {  	[smem:$0x3FC2] =	sst s2  }
0x8f: {  	_ = 	snop  }
0x90: {  	s2 =	sld [smem:$0x3FD0];
	(tm) =	ssettm $0x1  }
0x91: {  	s18 =	sld [smem:$0x3FFB];
	_ =	sdelay $0x3  }
0x92: {  	_ =	strace s18  }
0x93: {  	s3 =	sld [smem:$0x3FFC];
	_ =	sdelay $0x3  }
0x94: {  	_ =	strace s3  }
0x95: {  	s3 =	sld [smem:$0x3FFD];
	_ =	sdelay $0x3  }
0x96: {  	_ =	strace s3  }
0x97: {  	_ =	strace $0x8FFFFFFF  }
0x98: {  	s19 =	sld [smem:$0x3FDB];
	_ =	sdelay $0x1  }
0x99: {  	s4 =	simm.s32 $_scs_section_size  }
0x9a: {  	s5 =	simm.s32 $_size__tile_overlayer_lowered;
	s6 =	simm.s32 $_tile_overlayer_lowered  }
0x9b: {  	s22 =	simm.s32 $0x1BFF;
	s21 =	sshll.u32 s6, $0x1;
	s3 =	sadd.s32 s4, s19  }
0x9c: {  	s7 =	simm.s32 $0x0;
	s20 =	sshll.u32 s5, $0x1;
	s5 =	sadd.s32 s21, s3  }
0x9d: {  	[timem:s7], [sflag:s22] =	dma.local [hbm:s5], s20  }
0x9e: {  	_ =	swait.ge [sflag:s22], s20  }
0x9f: {  	s4 =	ssub.s32 $0x0, s20;
	[sflag:s22] =	ssyncset.done $0x0  }
0xa0: {  	[sflag:s22] =	ssyncadd.s32 s4;
	_ =	sdelay $0x1  }
0xa1: {  	s23 =	simm.s32 $0x1B8B  }
0xa2: {  	_ =	swait.ge [sflag:s23], $0x1  }
0xa3: {  	[sflag:s23] =	ssyncset.done $0x0  }
0xa4: {  	s25 =	simm.s32 $0x1B8E;
	s24 =	sld [smem:$0x3FFE];
	[sflag:s23] =	ssyncadd.s32 $0xFFFFFFFF  }
0xa5: {  	s26 =	simm.s32 $execute0_lowered;
	[smem:$0x3FD2] =	sst s25  }
0xa6: {  	s5 =	sshll.u32 s26, $0x1;
	_ =	strace $0x80000046;
	[dreg:$0x1] =	wrdreg $0xFFFFFFFF  }
0xa7: {  	s28 =	simm.s32 $_size_execute0_lowered;
	s3 =	sadd.s32 s3, s5;
	[dreg:$0x0] =	wrdreg $0x0  }
0xa8: {  	s5 =	sshll.u32 s28, $0x1;
	[dreg:$0x2] =	wrdreg s3  }
0xa9: {  	[dreg:$0x3] =	wrdreg s5  }
0xaa: {  	[dreg:$0x4] =	wrdreg $0xC0  }
0xab: {  	_ =	task [dreg:s7], $0x5FFFF  }
0xac: {  	[dreg:$0x1] =	wrdreg $0xFFFFFFFF  }
0xad: {  	[dreg:$0x0] =	wrdreg $0x60  }
0xae: {  	[dreg:$0x2] =	wrdreg s24  }
0xaf: {  	[dreg:$0x3] =	wrdreg s2  }
0xb0: {  	[dreg:$0x4] =	wrdreg $0x9  }
0xb1: {  	_ =	task.clear_ibuf [dreg:s7], $0x5FFFF;
	_ =	strace $0x90000046  }
0xb2: {  	s29 =	simm.s32 $0x9;
	_ =	strace $0x80000048  }
0xb3: {  	_ =	swait.ge [sflag:s29], $0x1  }
0xb4: {  	[sflag:s29] =	ssyncadd.s32 $0xFFFFFFFF  }
0xb5: {  	_ =	strace $0x90000048  }
0xb6: {  	_ =	sfence  }
0xb7: {  	s30 =	sld [smem:$0x0];
	_ =	sdelay $0x2  }
0xb8: {  	s31 =	sshll.u32 s1, $0xD;
	s1 =	sshrl.u32 s1, $0x2  }
0xb9: {  	s3 =	sand.u32 $0x4000, s31;
	s1 =	sadd.s32 s1, s30  }
0xba: {  	s0 =	sor.u32 s3, s0;
	s1 =	sshll.u32 s1, $0x11  }
0xbb: {  	s0 =	sor.u32 s1, s0  }
0xbc: {  	s0 =	sadd.s32 $0x8F2B, s0  }
0xbd: {  	[sflag:s0] =	ssyncadd.remote.s32 $0x1  }
0xbe: {  	_ =	sfence.sel $0xFFFF  }
0xbf: {  	[dreg:$0x0] =	wrdreg $0xFFFFFFFF;
	(pc) =	sbr.abs _section_cstart, $3  }
0xc0: {  	[dreg:$0x1] =	wrdreg $0xFFFFFFFF  }
0xc1: {  	_ =	task.clear_ibuf [dreg:s7], $0x2FFFF;
	_ =	strace $0x9FFFFFFF  }
0xc2: {  	(tm) =	ssettm $0x7FFFFFFF  }
0xc3: {  	_ =	shalt  }
tec
execute0_lowered:
.L_overlay_start_1:
0x0: {  	(tag) =	ssettag $0x1  }
0x1: {  	s3 =	rddreg [dreg:$0x0]  }
0x2: {  	s5 =	rddreg [dreg:$0x1]  }
0x3: {  	s0 =	rddreg [dreg:$0x2];
	s4 =	srdreg.scid  }
0x4: {  	s2 =	simm.s32 $0x0;
	s1 =	stileid.u32;
	s9 =	simm.s32 $0x2500  }
0x5: {  	s10 =	simm.s32 $0x2;
	s11 =	simm.s32 $0x0;
	s4 =	sand.u32 $0x1, s4  }
0x6: {  	[smem:$0x7FF] =	sst s2;
	s6 =	sshll.u32 s1, $0x7;
	s7 =	sshll.u32 s4, $0x6  }
0x7: {  	_ =	strace $0x80000047;
	s4 =	ssub.s32 $0x2, s4;
	s6 =	sor.u32 s7, s6  }
0x8: {  	s8 =	sshrl.u32 s4, $0x1;
	s7 =	sadd.s32 s6, s3;
	s3 =	sadd.s32 $0x1000, s3  }
0x9: {  	s8 =	ssub.s32 s4, s8;
	s5 =	sadd.s32 s5, s6;
	s4 =	sadd.s32 $0x1600, s7  }
0xa: {  	s6 =	smax.u32 s8, $0x1;
	s7 =	simm.s32 $0x200;
	s8 =	simm.s32 $0x1  }
.LBB2_1:
0xb: {  	[tilespmem:s2], [sflag:$0x1] =	stream.linear.gather [hbm4b:s4+s2], $0x200, $0x38;
	[tilespmem:$0x2700] =	vst v63  }
0xc: {  	_ = 	snop  }
0xd: {  	[tilespmem:s7], [sflag:$0x1] =	stream.linear.gather [hbm4b:s3+s2], $0x2300, $0x38;
	[tilespmem:$0x2700] =	vst v63  }
0xe: {  	_ =	swait.ge [sflag:s8], $0x200  }
0xf: {  	[sflag:s8] =	ssyncset.done $0x0  }
0x10: {  	[sflag:s8] =	ssyncadd.s32 $0xFFFFFE00  }
0x11: {  	_ =	swait.ge [sflag:s8], $0x2300  }
0x12: {  	[sflag:s8] =	ssyncset.done $0x0  }
0x13: {  	s12 =	simm.s32 $0x20;
	[sflag:s8] =	ssyncadd.s32 $0xFFFFDD00  }
0x14: {  	v1 =	vld [tilespmem:s12+$0x10];
	_ =	sdelay $0x4  }
0x15: {  	v2 =	vshra.s32 v1, $0x18  }
0x16: {  	v2 =	vmul.u32 $0x11, v2;
	_ =	sdelay $0x1  }
0x17: {  	v5 =	vadd.s32 $0x21B2, v2;
	_ =	sdelay $0x2  }
0x18: {  	v0 =	vand.u32 $0xFF, v1  }
0x19: {  	v4 =	vmul.u32 $0x11, v0  }
0x1a: {  	v5 =	vld.idx.msk [tilespmem:v5+s7+$0x0], $0xffff  }
0x1b: {  	v6 =	vadd.s32 $0x9, v4  }
0x1c: {  	v28 =	vld [tilespmem:s12+$0xFFFFFFF0]  }
0x1d: {  	v3 =	vld [tilespmem:s12+$0x0]  }
0x1e: {  	v0 =	vld [tilespmem:s12+$0xFFFFFFE0]  }
0x1f: {  	v56 =	vld.idx.msk [tilespmem:v4+s7+$0x0], $0xffff;
	[tilespmem:$0x1FEB0] =	vst v5  }
0x20: {  	v6 =	vld.idx.msk [tilespmem:v6+s7+$0x0], $0xffff  }
0x21: {  	v7 =	vadd.s32 $0x21B1, v2;
	_ =	sdelay $0x3  }
0x22: {  	[tilespmem:$0x1FEA0] =	vst v6  }
0x23: {  	v7 =	vld.idx.msk [tilespmem:v7+s7+$0x0], $0xffff  }
0x24: {  	v9 =	vadd.s32 $0x21B0, v2;
	_ =	sdelay $0x3  }
0x25: {  	[tilespmem:$0x1FE90] =	vst v7  }
0x26: {  	v8 =	vadd.s32 $0x8, v4;
	v9 =	vld.idx.msk [tilespmem:v9+s7+$0x0], $0xffff  }
0x27: {  	v11 =	vadd.s32 $0x7, v4;
	_ =	sdelay $0x3  }
0x28: {  	v59 =	vld.idx.msk [tilespmem:v8+s7+$0x0], $0xffff;
	[tilespmem:$0x1FE80] =	vst v9  }
0x29: {  	v10 =	vld.idx.msk [tilespmem:v11+s7+$0x0], $0xffff  }
0x2a: {  	v5 =	vadd.s32 $0x21AF, v2;
	_ =	sdelay $0x3  }
0x2b: {  	[tilespmem:$0x1FE70] =	vst v10  }
0x2c: {  	v5 =	vld.idx.msk [tilespmem:v5+s7+$0x0], $0xffff  }
0x2d: {  	v6 =	vadd.s32 $0x6, v4;
	_ =	sdelay $0x3  }
0x2e: {  	[tilespmem:$0x1FE60] =	vst v5  }
0x2f: {  	v6 =	vld.idx.msk [tilespmem:v6+s7+$0x0], $0xffff  }
0x30: {  	v8 =	vadd.s32 $0x5, v4;
	_ =	sdelay $0x3  }
0x31: {  	[tilespmem:$0x1FE50] =	vst v6  }
0x32: {  	v7 =	vadd.s32 $0x21AE, v2;
	v8 =	vld.idx.msk [tilespmem:v8+s7+$0x0], $0xffff  }
0x33: {  	v9 =	vadd.s32 $0x21AD, v2;
	_ =	sdelay $0x3  }
0x34: {  	v57 =	vld.idx.msk [tilespmem:v7+s7+$0x0], $0xffff;
	[tilespmem:$0x1FE40] =	vst v8  }
0x35: {  	v8 =	vld.idx.msk [tilespmem:v9+s7+$0x0], $0xffff  }
0x36: {  	v18 =	vadd.s32 $0x4, v4;
	_ =	sdelay $0x3  }
0x37: {  	[tilespmem:$0x1FE30] =	vst v8  }
0x38: {  	v8 =	vld.idx.msk [tilespmem:v18+s7+$0x0], $0xffff  }
0x39: {  	v5 =	vadd.s32 $0x21AC, v2;
	_ =	sdelay $0x3  }
0x3a: {  	[tilespmem:$0x1FE20] =	vst v8  }
0x3b: {  	v5 =	vld.idx.msk [tilespmem:v5+s7+$0x0], $0xffff  }
0x3c: {  	v19 =	vadd.s32 $0x3, v4;
	v6 =	vshrl.u32 v1, $0x8  }
0x3d: {  	v6 =	vand.u32 $0xFF, v6;
	v7 =	vadd.s32 $0x21AB, v2  }
0x3e: {  	v1 =	vshrl.u32 v1, $0x10;
	v20 =	vmul.u32 $0x11, v6;
	v6 =	vadd.s32 $0x2, v4  }
0x3f: {  	v1 =	vand.u32 $0xFF, v1;
	v4 =	vadd.s32 $0x1, v4  }
0x40: {  	v1 =	vmul.u32 $0x11, v1;
	v8 =	vadd.s32 $0xB39, v20;
	[tilespmem:$0x1FE10] =	vst v5  }
0x41: {  	v9 =	vadd.s32 $0xB3A, v20;
	v48 =	vld.idx.msk [tilespmem:v19+s7+$0x0], $0xffff  }
0x42: {  	v13 =	vadd.s32 $0x1675, v1;
	v63 =	vld.idx.msk [tilespmem:v7+s7+$0x0], $0xffff  }
0x43: {  	v5 =	vadd.s32 $0x1672, v1;
	v34 =	vld.idx.msk [tilespmem:v6+s7+$0x0], $0xffff  }
0x44: {  	v15 =	vadd.s32 $0x1676, v1;
	v17 =	vld.idx.msk [tilespmem:v4+s7+$0x0], $0xffff  }
0x45: {  	v18 =	vadd.s32 $0x1677, v1;
	v47 =	vld.idx.msk [tilespmem:v8+s7+$0x0], $0xffff  }
0x46: {  	v21 =	vadd.s32 $0xB41, v20;
	v11 =	vld.idx.msk [tilespmem:v9+s7+$0x0], $0xffff  }
0x47: {  	v4 =	vadd.s32 $0x1673, v1;
	v13 =	vld.idx.msk [tilespmem:v13+s7+$0x0], $0xffff  }
0x48: {  	v12 =	vld.idx.msk [tilespmem:v5+s7+$0x0], $0xffff;
	v5 =	vadd.s32 $0x1674, v1  }
0x49: {  	v6 =	vadd.s32 $0xB3B, v20;
	v38 =	vld.idx.msk [tilespmem:v15+s7+$0x0], $0xffff  }
0x4a: {  	v8 =	vadd.s32 $0xB3C, v20;
	v51 =	vld.idx.msk [tilespmem:v18+s7+$0x0], $0xffff  }
0x4b: {  	v19 =	vadd.s32 $0xB40, v20;
	v41 =	vld.idx.msk [tilespmem:v21+s7+$0x0], $0xffff  }
0x4c: {  	v14 =	vld.idx.msk [tilespmem:v4+s7+$0x0], $0xffff;
	v4 =	vadd.s32 $0xB3E, v20  }
0x4d: {  	v16 =	vld.idx.msk [tilespmem:v5+s7+$0x0], $0xffff;
	v5 =	vadd.s32 $0xB3F, v20  }
0x4e: {  	v26 =	vadd.s32 $0x21B3, v2;
	v10 =	vld.idx.msk [tilespmem:v6+s7+$0x0], $0xffff  }
0x4f: {  	v9 =	vadd.s32 $0xB3D, v20;
	v8 =	vld.idx.msk [tilespmem:v8+s7+$0x0], $0xffff  }
0x50: {  	v22 =	vshrl.u32 v0, $0x8;
	v49 =	vld.idx.msk [tilespmem:v19+s7+$0x0], $0xffff;
	v19 =	vadd.s32 $0x167A, v1  }
0x51: {  	v22 =	vand.u32 $0xFF, v22;
	v20 =	vadd.s32 $0xB42, v20;
	v37 =	vld.idx.msk [tilespmem:v4+s7+$0x0], $0xffff  }
0x52: {  	v25 =	vmul.u32 $0x11, v22;
	v4 =	vadd.s32 $0x1678, v1;
	v58 =	vld.idx.msk [tilespmem:v5+s7+$0x0], $0xffff  }
0x53: {  	v27 =	vadd.s32 $0x167B, v1;
	v5 =	vadd.s32 $0x1679, v1;
	v1 =	vld.idx.msk [tilespmem:v26+s7+$0x0], $0xffff  }
0x54: {  	v21 =	vadd.s32 $0xB39, v25;
	v9 =	vld.idx.msk [tilespmem:v9+s7+$0x0], $0xffff  }
0x55: {  	v43 =	vld.idx.msk [tilespmem:v19+s7+$0x0], $0xffff  }
0x56: {  	v18 =	vshrl.u32 v28, $0x8;
	v20 =	vld.idx.msk [tilespmem:v20+s7+$0x0], $0xffff  }
0x57: {  	v40 =	vld.idx.msk [tilespmem:v4+s7+$0x0], $0xffff;
	v4 =	vand.u32 $0xFF, v18  }
0x58: {  	v23 =	vshrl.u32 v3, $0x8;
	v7 =	vmul.u32 $0x11, v4;
	v42 =	vld.idx.msk [tilespmem:v5+s7+$0x0], $0xffff;
	[tilespmem:$0x1FEC0] =	vst v1  }
0x59: {  	v18 =	vand.u32 $0xFF, v23;
	v1 =	vld.idx.msk [tilespmem:v21+s7+$0x0], $0xffff  }
0x5a: {  	v24 =	vmul.u32 $0x11, v18;
	v18 =	vadd.s32 $0xB39, v7;
	_ =	sdelay $0x3  }
0x5b: {  	v44 =	vld.idx.msk [tilespmem:v27+s7+$0x0], $0xffff;
	[tilespmem:$0x1FEF0] =	vst v1  }
0x5c: {  	v2 =	vadd.s32 $0x21B4, v2;
	v1 =	vld.idx.msk [tilespmem:v18+s7+$0x0], $0xffff  }
0x5d: {  	v30 =	vadd.s32 $0xB3A, v25  }
0x5e: {  	v4 =	vshrl.u32 v0, $0x10  }
0x5f: {  	v4 =	vand.u32 $0xFF, v4  }
0x60: {  	v54 =	vmul.u32 $0x11, v4  }
0x61: {  	v19 =	vadd.s32 $0xB39, v24;
	v21 =	vld.idx.msk [tilespmem:v2+s7+$0x0], $0xffff;
	[tilespmem:$0x1FF10] =	vst v1  }
0x62: {  	v29 =	vadd.s32 $0x1672, v54;
	v1 =	vld.idx.msk [tilespmem:v30+s7+$0x0], $0xffff  }
0x63: {  	v32 =	vadd.s32 $0xB3A, v7  }
0x64: {  	v5 =	vshrl.u32 v28, $0x10  }
0x65: {  	v4 =	vand.u32 $0xFF, v5;
	v5 =	vshrl.u32 v3, $0x10  }
0x66: {  	v55 =	vmul.u32 $0x11, v4;
	v4 =	vand.u32 $0xFF, v5;
	v27 =	vld.idx.msk [tilespmem:v19+s7+$0x0], $0xffff  }
0x67: {  	v53 =	vmul.u32 $0x11, v4;
	v29 =	vld.idx.msk [tilespmem:v29+s7+$0x0], $0xffff;
	[tilespmem:$0x1FF20] =	vst v1  }
0x68: {  	v31 =	vadd.s32 $0x1672, v55;
	v1 =	vld.idx.msk [tilespmem:v32+s7+$0x0], $0xffff  }
0x69: {  	v18 =	vadd.s32 $0x1672, v53;
	_ =	sdelay $0x3  }
0x6a: {  	v31 =	vld.idx.msk [tilespmem:v31+s7+$0x0], $0xffff;
	[tilespmem:$0x1FF30] =	vst v1  }
0x6b: {  	v1 =	vld.idx.msk [tilespmem:v18+s7+$0x0], $0xffff  }
0x6c: {  	v33 =	vadd.s32 $0xB3A, v24;
	_ =	sdelay $0x1  }
0x6d: {  	v2 =	vand.u32 $0xFF, v0  }
0x6e: {  	v15 =	vmul.u32 $0x11, v2;
	v2 =	vand.u32 $0xFF, v3  }
0x6f: {  	v26 =	vmul.u32 $0x11, v2;
	[tilespmem:$0x1FF50] =	vst v1  }
0x70: {  	v1 =	vld.idx.msk [tilespmem:v33+s7+$0x0], $0xffff  }
0x71: {  	v39 =	vadd.s32 $0x1, v26  }
0x72: {  	v62 =	vadd.s32 $0xB3B, v25  }
0x73: {  	v18 =	vadd.s32 $0x1673, v54  }
0x74: {  	v4 =	vand.u32 $0xFF, v28  }
0x75: {  	v22 =	vmul.u32 $0x11, v4;
	[tilespmem:$0x1FF40] =	vst v1  }
0x76: {  	v0 =	vshra.s32 v0, $0x18;
	v35 =	vadd.s32 $0x1, v15;
	v30 =	vld.idx.msk [tilespmem:v39+s7+$0x0], $0xffff  }
0x77: {  	v36 =	vadd.s32 $0x1, v22;
	v52 =	vmul.u32 $0x11, v0;
	v0 =	vld.idx.msk [tilespmem:v62+s7+$0x0], $0xffff  }
0x78: {  	v39 =	vld.idx.msk [tilespmem:v18+s7+$0x0], $0xffff;
	v18 =	vadd.s32 $0xB3B, v24;
	_ =	sdelay $0x2  }
0x79: {  	v19 =	vld.idx.msk [tilespmem:v35+s7+$0x0], $0xffff;
	v35 =	vadd.s32 $0xB3B, v7  }
0x7a: {  	v46 =	vadd.s32 $0x1673, v53;
	v32 =	vld.idx.msk [tilespmem:v36+s7+$0x0], $0xffff;
	[tilespmem:$0x1FF60] =	vst v0  }
0x7b: {  	v28 =	vshra.s32 v28, $0x18;
	v45 =	vadd.s32 $0x1673, v55;
	v0 =	vld.idx.msk [tilespmem:v18+s7+$0x0], $0xffff  }
0x7c: {  	v28 =	vmul.u32 $0x11, v28  }
0x7d: {  	v60 =	vadd.s32 $0x2, v15  }
0x7e: {  	v61 =	vadd.s32 $0x21AB, v28;
	v36 =	vld.idx.msk [tilespmem:v35+s7+$0x0], $0xffff  }
0x7f: {  	v35 =	vld.idx.msk [tilespmem:v46+s7+$0x0], $0xffff;
	v46 =	vadd.s32 $0x2, v22  }
0x80: {  	v45 =	vld.idx.msk [tilespmem:v45+s7+$0x0], $0xffff;
	[tilespmem:$0x1FF70] =	vst v0;
	v0 =	vadd.s32 $0x2, v26;
	_ =	sdelay $0x1  }
0x81: {  	v62 =	vld.idx.msk [tilespmem:v60+s7+$0x0], $0xffff  }
0x82: {  	v60 =	vld.idx.msk [tilespmem:v61+s7+$0x0], $0xffff  }
0x83: {  	v61 =	vld.idx.msk [tilespmem:v46+s7+$0x0], $0xffff  }
0x84: {  	v46 =	vld.idx.msk [tilespmem:v0+s7+$0x0], $0xffff;
	v0 =	vadd.f32 v47, v56  }
0x85: {  	v11 =	vadd.f32 v11, v17  }
0x86: {  	v3 =	vshra.s32 v3, $0x18;
	v0 =	vadd.f32 v12, v0;
	v12 =	vimm.s32 $0x2288  }
0x87: {  	v11 =	vadd.f32 v14, v11;
	v14 =	vimm.s32 $0x2292;
	v23 =	vmul.u32 $0x11, v3  }
0x88: {  	v50 =	vadd.s32 $0x21AB, v52  }
0x89: {  	v18 =	vadd.s32 $0x21AB, v23  }
0x8a: {  	v6 =	vld [tilespmem:$0x1FE10];
	v2 =	vadd.s32 $0xB3C, v25  }
0x8b: {  	v3 =	vld.idx.msk [tilespmem:v12+s7+$0x0], $0xffff;
	v12 =	vimm.s32 $0x2289  }
0x8c: {  	v4 =	vld.idx.msk [tilespmem:v14+s7+$0x0], $0xffff  }
0x8d: {  	v33 =	vld.idx.msk [tilespmem:v50+s7+$0x0], $0xffff  }
0x8e: {  	v50 =	vld.idx.msk [tilespmem:v18+s7+$0x0], $0xffff  }
0x8f: {  	v18 =	vld.idx.msk [tilespmem:v2+s7+$0x0], $0xffff  }
0x90: {  	v2 =	vadd.s32 $0xB3C, v7;
	v0 =	vadd.f32 v63, v0;
	v5 =	vld.idx.msk [tilespmem:v12+s7+$0x0], $0xffff;
	_ =	sdelay $0x1  }
0x91: {  	v11 =	vadd.f32 v6, v11;
	v0 =	vmax.f32 v0, $0.0e+00  }
0x92: {  	v0 =	vmul.f32 v0, v3  }
0x93: {  	v11 =	vmax.f32 v11, $0.0e+00  }
0x94: {  	v63 =	vld.idx.msk [tilespmem:v2+s7+$0x0], $0xffff;
	v0 =	vadd.f32 v0, v4;
	v11 =	vmul.f32 v11, v5  }
0x95: {  	v1 =	vadd.s32 $0x1674, v54;
	v2 =	vld [tilespmem:$0x1FE20]  }
0x96: {  	v0 =	vadd.f32 v11, v0;
	v11 =	vimm.s32 $0x228C  }
0x97: {  	v8 =	vadd.f32 v8, v48  }
0x98: {  	v14 =	vld [tilespmem:$0x1FE30]  }
0x99: {  	v10 =	vadd.f32 v10, v34;
	v8 =	vadd.f32 v13, v8;
	v13 =	vimm.s32 $0x228B  }
0x9a: {  	v47 =	vld.idx.msk [tilespmem:v1+s7+$0x0], $0xffff;
	v2 =	vadd.f32 v9, v2;
	v9 =	vimm.s32 $0x228A  }
0x9b: {  	v10 =	vadd.f32 v16, v10;
	v8 =	vadd.f32 v57, v8;
	v1 =	vadd.s32 $0x1674, v55;
	v57 =	vld.idx.msk [tilespmem:v11+s7+$0x0], $0xffff  }
0x9c: {  	v11 =	vld [tilespmem:$0x1FE50]  }
0x9d: {  	v10 =	vadd.f32 v14, v10;
	v14 =	vld [tilespmem:$0x1FE40]  }
0x9e: {  	v56 =	vld.idx.msk [tilespmem:v13+s7+$0x0], $0xffff  }
0x9f: {  	v6 =	vld.idx.msk [tilespmem:v9+s7+$0x0], $0xffff  }
0xa0: {  	v48 =	vld.idx.msk [tilespmem:v1+s7+$0x0], $0xffff;
	v1 =	vadd.s32 $0xB3C, v24  }
0xa1: {  	v11 =	vadd.f32 v58, v11;
	v58 =	vld [tilespmem:$0x1FE60];
	_ =	sdelay $0x1  }
0xa2: {  	v17 =	vadd.s32 $0x3, v22;
	v10 =	vmax.f32 v10, $0.0e+00;
	v16 =	vadd.f32 v37, v14  }
0xa3: {  	v37 =	vimm.s32 $0x228D;
	v2 =	vadd.f32 v38, v2;
	v10 =	vmul.f32 v10, v6  }
0xa4: {  	v8 =	vmax.f32 v8, $0.0e+00;
	v13 =	vadd.s32 $0x3, v15;
	v14 =	vld.idx.msk [tilespmem:v1+s7+$0x0], $0xffff  }
0xa5: {  	v8 =	vmul.f32 v8, v56;
	v38 =	vld [tilespmem:$0x1FE80];
	v0 =	vadd.f32 v10, v0;
	v2 =	vadd.f32 v58, v2  }
0xa6: {  	v1 =	vadd.s32 $0x21AC, v28;
	v10 =	vld [tilespmem:$0x1FE70]  }
0xa7: {  	v16 =	vadd.f32 v51, v16;
	v17 =	vld.idx.msk [tilespmem:v17+s7+$0x0], $0xffff;
	v0 =	vadd.f32 v8, v0;
	v2 =	vmax.f32 v2, $0.0e+00  }
0xa8: {  	v11 =	vadd.f32 v40, v11;
	v40 =	vimm.s32 $0x228E;
	v58 =	vld.idx.msk [tilespmem:v37+s7+$0x0], $0xffff;
	v2 =	vmul.f32 v2, v57  }
0xa9: {  	v13 =	vld.idx.msk [tilespmem:v13+s7+$0x0], $0xffff;
	v12 =	vadd.s32 $0x1674, v53  }
0xaa: {  	v16 =	vadd.f32 v38, v16;
	v0 =	vadd.f32 v2, v0;
	v2 =	vld [tilespmem:$0x1FEA0]  }
0xab: {  	v1 =	vld.idx.msk [tilespmem:v1+s7+$0x0], $0xffff;
	v10 =	vadd.f32 v49, v10;
	v49 =	vimm.s32 $0x228F  }
0xac: {  	v9 =	vadd.s32 $0x21AC, v52;
	v16 =	vmax.f32 v16, $0.0e+00;
	v8 =	vadd.f32 v41, v59;
	v41 =	vld [tilespmem:$0x1FE90]  }
0xad: {  	v59 =	vld.idx.msk [tilespmem:v40+s7+$0x0], $0xffff;
	v40 =	vimm.s32 $0x2290;
	v16 =	vmul.f32 v16, v58  }
0xae: {  	v12 =	vld.idx.msk [tilespmem:v12+s7+$0x0], $0xffff  }
0xaf: {  	v0 =	vadd.f32 v16, v0;
	v16 =	vimm.s32 $0x2291;
	v2 =	vadd.f32 v20, v2;
	v20 =	vld [tilespmem:$0x1FEB0]  }
0xb0: {  	v51 =	vld.idx.msk [tilespmem:v49+s7+$0x0], $0xffff  }
0xb1: {  	v34 =	vadd.s32 $0x21AC, v23;
	v9 =	vld.idx.msk [tilespmem:v9+s7+$0x0], $0xffff;
	v11 =	vadd.f32 v41, v11  }
0xb2: {  	v10 =	vadd.f32 v42, v10;
	v40 =	vld.idx.msk [tilespmem:v40+s7+$0x0], $0xffff  }
0xb3: {  	v38 =	vadd.s32 $0x1675, v54;
	v8 =	vadd.f32 v43, v8;
	v43 =	vld.idx.msk [tilespmem:v22+s7+$0x0], $0xffff;
	v11 =	vmax.f32 v11, $0.0e+00  }
0xb4: {  	v11 =	vmul.f32 v11, v59;
	v10 =	vadd.f32 v20, v10;
	v20 =	vld.idx.msk [tilespmem:v16+s7+$0x0], $0xffff;
	v16 =	vadd.s32 $0x3, v26  }
0xb5: {  	v37 =	vld.idx.msk [tilespmem:v15+s7+$0x0], $0xffff;
	[tilespmem:$0x1FED0] =	vst v51;
	v2 =	vadd.f32 v44, v2  }
0xb6: {  	v34 =	vld.idx.msk [tilespmem:v34+s7+$0x0], $0xffff;
	v0 =	vadd.f32 v11, v0;
	v10 =	vmax.f32 v10, $0.0e+00  }
0xb7: {  	v11 =	vld.idx.msk [tilespmem:v26+s7+$0x0], $0xffff;
	[tilespmem:$0x1FEE0] =	vst v40;
	v2 =	vadd.f32 v21, v2;
	v10 =	vmul.f32 v10, v51  }
0xb8: {  	v38 =	vld.idx.msk [tilespmem:v38+s7+$0x0], $0xffff  }
0xb9: {  	v2 =	vmax.f32 v2, $0.0e+00;
	v0 =	vadd.f32 v10, v0;
	v10 =	vld.idx.msk [tilespmem:v16+s7+$0x0], $0xffff  }
0xba: {  	[tilespmem:$0x1FF00] =	vst v20;
	v2 =	vmul.f32 v2, v20;
	v20 =	vld [tilespmem:$0x1FF10];
	_ =	sdelay $0x1  }
0xbb: {  	v42 =	vld [tilespmem:$0x1FEC0];
	_ =	sdelay $0x2  }
0xbc: {  	v43 =	vadd.f32 v20, v43;
	v20 =	vld [tilespmem:$0x1FF20]  }
0xbd: {  	v36 =	vadd.f32 v36, v61;
	v49 =	vadd.s32 $0x1675, v55  }
0xbe: {  	v8 =	vadd.f32 v42, v8;
	v42 =	vadd.s32 $0x4, v26  }
0xbf: {  	v36 =	vadd.f32 v48, v36;
	v48 =	vadd.s32 $0x5, v15  }
0xc0: {  	v44 =	vadd.s32 $0xB3D, v25;
	v21 =	vld [tilespmem:$0x1FEF0]  }
0xc1: {  	v51 =	vadd.s32 $0xB3D, v24;
	v19 =	vadd.f32 v20, v19;
	v20 =	vld [tilespmem:$0x1FF30]  }
0xc2: {  	v8 =	vmax.f32 v8, $0.0e+00;
	v11 =	vadd.f32 v27, v11;
	v27 =	vld.idx.msk [tilespmem:v49+s7+$0x0], $0xffff  }
0xc3: {  	v41 =	vadd.s32 $0xB3D, v7;
	v8 =	vmul.f32 v8, v40;
	v42 =	vld.idx.msk [tilespmem:v42+s7+$0x0], $0xffff  }
0xc4: {  	v48 =	vld.idx.msk [tilespmem:v48+s7+$0x0], $0xffff  }
0xc5: {  	v37 =	vadd.f32 v21, v37;
	v21 =	vadd.s32 $0x4, v22;
	v0 =	vadd.f32 v8, v0;
	v8 =	vld.idx.msk [tilespmem:v44+s7+$0x0], $0xffff  }
0xc6: {  	v20 =	vadd.f32 v20, v32;
	v32 =	vld.idx.msk [tilespmem:v51+s7+$0x0], $0xffff  }
0xc7: {  	v51 =	vld [tilespmem:$0x1FF50]  }
0xc8: {  	v16 =	vadd.s32 $0x1675, v53;
	v0 =	vadd.f32 v2, v0;
	v2 =	vadd.f32 v29, v37;
	v29 =	vld.idx.msk [tilespmem:v41+s7+$0x0], $0xffff  }
0xc9: {  	v44 =	vadd.s32 $0x21AD, v52;
	v31 =	vadd.f32 v31, v43;
	v43 =	vld [tilespmem:$0x1FF40]  }
0xca: {  	v49 =	vadd.s32 $0x4, v15;
	v21 =	vld.idx.msk [tilespmem:v21+s7+$0x0], $0xffff  }
0xcb: {  	v37 =	vadd.s32 $0x21AD, v28;
	v31 =	vadd.f32 v60, v31;
	v60 =	vld [tilespmem:$0x1FF70]  }
0xcc: {  	v41 =	vadd.s32 $0x21AD, v23;
	v11 =	vadd.f32 v51, v11;
	v51 =	vld [tilespmem:$0x1FF60]  }
0xcd: {  	v61 =	vadd.s32 $0x21AE, v28;
	v16 =	vld.idx.msk [tilespmem:v16+s7+$0x0], $0xffff  }
0xce: {  	v30 =	vadd.f32 v43, v30;
	v19 =	vadd.f32 v39, v19;
	v39 =	vld.idx.msk [tilespmem:v44+s7+$0x0], $0xffff;
	v43 =	vadd.s32 $0x1676, v54  }
0xcf: {  	v17 =	vadd.f32 v63, v17;
	v63 =	vadd.s32 $0xB3F, v24;
	v44 =	vld.idx.msk [tilespmem:v49+s7+$0x0], $0xffff;
	v49 =	vadd.s32 $0x1676, v55  }
0xd0: {  	v2 =	vadd.f32 v33, v2;
	v37 =	vld.idx.msk [tilespmem:v37+s7+$0x0], $0xffff;
	v33 =	vadd.f32 v60, v46;
	v46 =	vadd.s32 $0x21AE, v52  }
0xd1: {  	v41 =	vld.idx.msk [tilespmem:v41+s7+$0x0], $0xffff;
	v30 =	vadd.f32 v35, v30;
	v35 =	vadd.f32 v51, v62;
	v62 =	vadd.s32 $0xB3E, v25  }
0xd2: {  	v12 =	vadd.f32 v12, v33;
	v33 =	vld.idx.msk [tilespmem:v61+s7+$0x0], $0xffff;
	v11 =	vadd.f32 v50, v11;
	v50 =	vadd.s32 $0x1676, v53  }
0xd3: {  	v13 =	vadd.f32 v18, v13;
	v18 =	vadd.s32 $0x21AE, v23;
	v43 =	vld.idx.msk [tilespmem:v43+s7+$0x0], $0xffff;
	v51 =	vadd.s32 $0xB3E, v7  }
0xd4: {  	v40 =	vadd.s32 $0x1677, v54;
	v49 =	vld.idx.msk [tilespmem:v49+s7+$0x0], $0xffff;
	v35 =	vadd.f32 v47, v35;
	v47 =	vadd.s32 $0xB3E, v24  }
0xd5: {  	v13 =	vadd.f32 v38, v13;
	v10 =	vadd.f32 v14, v10;
	v2 =	vmax.f32 v2, $0.0e+00;
	v46 =	vld.idx.msk [tilespmem:v46+s7+$0x0], $0xffff  }
0xd6: {  	v9 =	vadd.f32 v9, v19;
	v20 =	vadd.f32 v45, v20;
	v19 =	vld.idx.msk [tilespmem:v62+s7+$0x0], $0xffff;
	v62 =	vadd.s32 $0x5, v22  }
0xd7: {  	v14 =	vadd.s32 $0x1677, v55;
	v17 =	vadd.f32 v27, v17;
	v2 =	vmul.f32 v2, v3;
	v50 =	vld.idx.msk [tilespmem:v50+s7+$0x0], $0xffff  }
0xd8: {  	v27 =	vadd.s32 $0x21AF, v52;
	v1 =	vadd.f32 v1, v20;
	v20 =	vadd.s32 $0x5, v26;
	v51 =	vld.idx.msk [tilespmem:v51+s7+$0x0], $0xffff  }
0xd9: {  	v2 =	vadd.f32 v2, v4;
	v60 =	vadd.s32 $0xB3F, v25;
	v9 =	vmax.f32 v9, $0.0e+00;
	v47 =	vld.idx.msk [tilespmem:v47+s7+$0x0], $0xffff;
	[tilespmem:$0x1FF80] =	vst v3  }
0xda: {  	v30 =	vadd.f32 v34, v30;
	v9 =	vmul.f32 v9, v5;
	v11 =	vmax.f32 v11, $0.0e+00;
	v18 =	vld.idx.msk [tilespmem:v18+s7+$0x0], $0xffff  }
0xdb: {  	v21 =	vadd.f32 v29, v21;
	v31 =	vmax.f32 v31, $0.0e+00;
	v11 =	vmul.f32 v11, v3;
	v45 =	vld.idx.msk [tilespmem:v62+s7+$0x0], $0xffff;
	[tilespmem:$0x1FF90] =	vst v4  }
0xdc: {  	v30 =	vmax.f32 v30, $0.0e+00;
	v2 =	vadd.f32 v9, v2;
	v9 =	vadd.s32 $0xB3F, v7;
	[tilespmem:$0x1FFA0] =	vst v5  }
0xdd: {  	v61 =	vadd.s32 $0x1677, v53;
	v30 =	vmul.f32 v30, v5;
	v11 =	vadd.f32 v11, v4;
	v20 =	vld.idx.msk [tilespmem:v20+s7+$0x0], $0xffff  }
0xde: {  	v10 =	vadd.f32 v16, v10;
	v31 =	vmul.f32 v31, v3;
	v62 =	vadd.f32 v39, v35;
	v39 =	vld.idx.msk [tilespmem:v40+s7+$0x0], $0xffff  }
0xdf: {  	v16 =	vadd.s32 $0x6, v15;
	v1 =	vmax.f32 v1, $0.0e+00;
	v11 =	vadd.f32 v30, v11;
	v30 =	vld.idx.msk [tilespmem:v60+s7+$0x0], $0xffff  }
0xe0: {  	v31 =	vadd.f32 v31, v4;
	v36 =	vadd.f32 v37, v36;
	v1 =	vmul.f32 v1, v5;
	v14 =	vld.idx.msk [tilespmem:v14+s7+$0x0], $0xffff  }
0xe1: {  	v8 =	vadd.f32 v8, v44;
	v12 =	vadd.f32 v41, v12;
	v60 =	vadd.s32 $0x21AF, v28;
	v9 =	vld.idx.msk [tilespmem:v9+s7+$0x0], $0xffff  }
0xe2: {  	v44 =	vadd.s32 $0x6, v22;
	v1 =	vadd.f32 v1, v31;
	v37 =	vld.idx.msk [tilespmem:v61+s7+$0x0], $0xffff;
	v31 =	vmax.f32 v62, $0.0e+00  }
0xe3: {  	v12 =	vmax.f32 v12, $0.0e+00;
	v61 =	vadd.s32 $0x21AF, v23;
	v27 =	vld.idx.msk [tilespmem:v27+s7+$0x0], $0xffff;
	v31 =	vmul.f32 v31, v6  }
0xe4: {  	v36 =	vmax.f32 v36, $0.0e+00;
	v41 =	vadd.s32 $0xB40, v25;
	v12 =	vmul.f32 v12, v6;
	v16 =	vld.idx.msk [tilespmem:v16+s7+$0x0], $0xffff  }
0xe5: {  	v36 =	vmul.f32 v36, v6;
	v62 =	vadd.s32 $0x6, v26;
	v2 =	vadd.f32 v31, v2;
	v31 =	vld.idx.msk [tilespmem:v63+s7+$0x0], $0xffff;
	[tilespmem:$0x1FFB0] =	vst v6  }
0xe6: {  	v32 =	vadd.f32 v32, v42;
	v11 =	vadd.f32 v12, v11;
	v12 =	vadd.s32 $0xB40, v7;
	v34 =	vld.idx.msk [tilespmem:v60+s7+$0x0], $0xffff  }
0xe7: {  	v17 =	vadd.f32 v33, v17;
	v13 =	vadd.f32 v46, v13;
	v63 =	vadd.s32 $0x1678, v54;
	v29 =	vld.idx.msk [tilespmem:v44+s7+$0x0], $0xffff  }
0xe8: {  	v8 =	vadd.f32 v43, v8;
	v21 =	vadd.f32 v49, v21;
	v60 =	vadd.s32 $0x1678, v55;
	v38 =	vld.idx.msk [tilespmem:v61+s7+$0x0], $0xffff  }
0xe9: {  	v49 =	vadd.s32 $0x21B0, v28;
	v13 =	vmax.f32 v13, $0.0e+00;
	v61 =	vadd.s32 $0x1678, v53;
	v41 =	vld.idx.msk [tilespmem:v41+s7+$0x0], $0xffff  }
0xea: {  	v17 =	vmax.f32 v17, $0.0e+00;
	v13 =	vmul.f32 v13, v56;
	v35 =	vld.idx.msk [tilespmem:v62+s7+$0x0], $0xffff;
	v62 =	vadd.s32 $0xB40, v24  }
0xeb: {  	v19 =	vadd.f32 v19, v48;
	v48 =	vadd.s32 $0x21B0, v52;
	v10 =	vadd.f32 v18, v10;
	v12 =	vld.idx.msk [tilespmem:v12+s7+$0x0], $0xffff  }
0xec: {  	v17 =	vmul.f32 v17, v56;
	v46 =	vadd.s32 $0x21B1, v52;
	v18 =	vadd.s32 $0x7, v15;
	v40 =	vld.idx.msk [tilespmem:v63+s7+$0x0], $0xffff  }
0xed: {  	v1 =	vadd.f32 v36, v1;
	v10 =	vmax.f32 v10, $0.0e+00;
	v2 =	vadd.f32 v13, v2;
	v13 =	vld.idx.msk [tilespmem:v60+s7+$0x0], $0xffff  }
0xee: {  	v32 =	vadd.f32 v50, v32;
	v50 =	vadd.s32 $0x7, v22;
	v10 =	vmul.f32 v10, v56;
	v42 =	vld.idx.msk [tilespmem:v61+s7+$0x0], $0xffff;
	[tilespmem:$0x1FFC0] =	vst v56  }
0xef: {  	v1 =	vadd.f32 v17, v1;
	v17 =	vadd.s32 $0x7, v26;
	v8 =	vadd.f32 v27, v8;
	v43 =	vld.idx.msk [tilespmem:v62+s7+$0x0], $0xffff  }
0xf0: {  	v6 =	vadd.s32 $0x9, v26;
	v10 =	vadd.f32 v10, v11;
	v11 =	vadd.s32 $0x1679, v54;
	v27 =	vld.idx.msk [tilespmem:v48+s7+$0x0], $0xffff  }
0xf1: {  	v8 =	vmax.f32 v8, $0.0e+00;
	v63 =	vadd.f32 v51, v45;
	v51 =	vadd.s32 $0x21B0, v23;
	v18 =	vld.idx.msk [tilespmem:v18+s7+$0x0], $0xffff  }
0xf2: {  	v20 =	vadd.f32 v47, v20;
	v8 =	vmul.f32 v8, v57;
	v60 =	vadd.s32 $0xB41, v25;
	v36 =	vld.idx.msk [tilespmem:v49+s7+$0x0], $0xffff  }
0xf3: {  	v19 =	vadd.f32 v39, v19;
	v61 =	vadd.s32 $0x1679, v55;
	v21 =	vadd.f32 v34, v21;
	v62 =	vld.idx.msk [tilespmem:v50+s7+$0x0], $0xffff  }
0xf4: {  	v2 =	vadd.f32 v8, v2;
	v14 =	vadd.f32 v14, v63;
	v63 =	vadd.s32 $0xB41, v7;
	v8 =	vld.idx.msk [tilespmem:v17+s7+$0x0], $0xffff  }
0xf5: {  	v16 =	vadd.f32 v30, v16;
	v20 =	vadd.f32 v37, v20;
	v45 =	vadd.s32 $0x1679, v53;
	v11 =	vld.idx.msk [tilespmem:v11+s7+$0x0], $0xffff  }
0xf6: {  	v9 =	vadd.f32 v9, v29;
	v17 =	vadd.s32 $0xB41, v24;
	v21 =	vmax.f32 v21, $0.0e+00;
	v44 =	vld.idx.msk [tilespmem:v51+s7+$0x0], $0xffff  }
0xf7: {  	v47 =	vadd.s32 $0x8, v15;
	v32 =	vadd.f32 v38, v32;
	v21 =	vmul.f32 v21, v57;
	v33 =	vld.idx.msk [tilespmem:v60+s7+$0x0], $0xffff;
	[tilespmem:$0x1FFD0] =	vst v57  }
0xf8: {  	v31 =	vadd.f32 v31, v35;
	v49 =	vadd.s32 $0x21B1, v23;
	v50 =	vadd.s32 $0x8, v26;
	v30 =	vld.idx.msk [tilespmem:v61+s7+$0x0], $0xffff  }
0xf9: {  	v1 =	vadd.f32 v21, v1;
	v21 =	vadd.s32 $0x21B1, v28;
	v19 =	vadd.f32 v27, v19;
	v27 =	vld.idx.msk [tilespmem:v63+s7+$0x0], $0xffff  }
0xfa: {  	v32 =	vmax.f32 v32, $0.0e+00;
	v9 =	vadd.f32 v13, v9;
	v13 =	vadd.s32 $0x8, v22;
	v48 =	vld.idx.msk [tilespmem:v45+s7+$0x0], $0xffff  }
0xfb: {  	v32 =	vmul.f32 v32, v57;
	v17 =	vld.idx.msk [tilespmem:v17+s7+$0x0], $0xffff;
	v18 =	vadd.f32 v41, v18;
	v19 =	vmax.f32 v19, $0.0e+00  }
0xfc: {  	v51 =	vadd.s32 $0x167A, v54;
	v35 =	vld.idx.msk [tilespmem:v46+s7+$0x0], $0xffff;
	v14 =	vadd.f32 v36, v14;
	v19 =	vmul.f32 v19, v58  }
0xfd: {  	v57 =	vadd.s32 $0x167A, v55;
	v12 =	vadd.f32 v12, v62;
	v56 =	vld.idx.msk [tilespmem:v47+s7+$0x0], $0xffff;
	v18 =	vadd.f32 v11, v18  }
0xfe: {  	v11 =	vadd.s32 $0x167A, v53;
	v20 =	vadd.f32 v44, v20;
	v21 =	vld.idx.msk [tilespmem:v21+s7+$0x0], $0xffff;
	v2 =	vadd.f32 v19, v2  }
0xff: {  	v13 =	vld.idx.msk [tilespmem:v13+s7+$0x0], $0xffff;
	v19 =	vadd.s32 $0xB42, v25;
	v25 =	vadd.f32 v43, v8;
	v8 =	vmax.f32 v14, $0.0e+00  }
0x100: {  	v14 =	vadd.s32 $0xB42, v7;
	v7 =	vmul.f32 v8, v58;
	v8 =	vmax.f32 v20, $0.0e+00;
	v20 =	vld.idx.msk [tilespmem:v49+s7+$0x0], $0xffff;
	[tilespmem:$0x1FFE0] =	vst v58  }
0x101: {  	v16 =	vadd.f32 v40, v16;
	v10 =	vadd.f32 v32, v10;
	v8 =	vmul.f32 v8, v58;
	v58 =	vld.idx.msk [tilespmem:v50+s7+$0x0], $0xffff  }
0x102: {  	v62 =	vld.idx.msk [tilespmem:v57+s7+$0x0], $0xffff;
	v60 =	vadd.f32 v7, v1;
	v1 =	vadd.f32 v30, v12;
	v12 =	vadd.s32 $0xB42, v24  }
0x103: {  	v24 =	vld.idx.msk [tilespmem:v51+s7+$0x0], $0xffff;
	v61 =	vadd.f32 v8, v10;
	v10 =	vadd.f32 v35, v16;
	v16 =	vadd.s32 $0x21B2, v52  }
0x104: {  	v7 =	vadd.f32 v48, v25;
	v25 =	vadd.s32 $0x9, v15;
	v13 =	vadd.f32 v27, v13;
	v27 =	vld.idx.msk [tilespmem:v11+s7+$0x0], $0xffff  }
0x105: {  	v31 =	vadd.f32 v42, v31;
	v42 =	vadd.s32 $0x167B, v53;
	v5 =	vld.idx.msk [tilespmem:v14+s7+$0x0], $0xffff;
	v14 =	vadd.s32 $0x9, v22  }
0x106: {  	v9 =	vadd.f32 v21, v9;
	v21 =	vadd.s32 $0x21B2, v28;
	v8 =	vld.idx.msk [tilespmem:v19+s7+$0x0], $0xffff;
	v10 =	vmax.f32 v10, $0.0e+00  }
0x107: {  	v19 =	vadd.f32 v33, v56;
	v11 =	vadd.f32 v20, v31;
	v10 =	vmul.f32 v10, v59;
	v4 =	vld.idx.msk [tilespmem:v12+s7+$0x0], $0xffff  }
0x108: {  	v22 =	vadd.s32 $0x167B, v54;
	v20 =	vadd.s32 $0x21B2, v23;
	v63 =	vmax.f32 v9, $0.0e+00;
	v16 =	vld.idx.msk [tilespmem:v16+s7+$0x0], $0xffff  }
0x109: {  	v11 =	vmax.f32 v11, $0.0e+00;
	v9 =	vadd.f32 v10, v2;
	v10 =	vmul.f32 v63, v59;
	v2 =	vld.idx.msk [tilespmem:v25+s7+$0x0], $0xffff;
	[tilespmem:$0x1FFF0] =	vst v59  }
0x10a: {  	v45 =	vadd.s32 $0x167B, v55;
	v46 =	vadd.s32 $0x21B3, v28;
	v12 =	vmul.f32 v11, v59;
	v11 =	vld.idx.msk [tilespmem:v14+s7+$0x0], $0xffff  }
0x10b: {  	v49 =	vadd.s32 $0x21B3, v23;
	v25 =	vadd.f32 v24, v19;
	v24 =	vadd.f32 v10, v60;
	v10 =	vld.idx.msk [tilespmem:v21+s7+$0x0], $0xffff  }
0x10c: {  	v47 =	vadd.s32 $0x21B4, v28;
	v17 =	vadd.f32 v17, v58;
	v26 =	vadd.f32 v62, v13;
	v13 =	vld.idx.msk [tilespmem:v6+s7+$0x0], $0xffff  }
0x10d: {  	s13 =	simm.s32 $0x2520;
	v44 =	vadd.s32 $0x21B4, v23;
	v43 =	vadd.s32 $0x21B3, v52;
	v21 =	vadd.f32 v12, v61;
	v12 =	vld.idx.msk [tilespmem:v20+s7+$0x0], $0xffff  }
0x10e: {  	s14 =	simm.s32 $0x0;
	s15 =	simm.s32 $0x60;
	s12 =	simm.s32 $0x2520;
	v48 =	vadd.s32 $0x21B4, v52;
	v19 =	vadd.f32 v27, v17;
	[tilespmem:s13+$0x10] =	vst v0;
	v14 =	vadd.f32 v16, v18;
	v18 =	vld.idx.msk [tilespmem:v22+s7+$0x0], $0xffff  }
.LBB2_2:
0x10f: {  	v28 =	vld [tilespmem:$0x1FED0]  }
0x110: {  	v1 =	vadd.f32 v10, v1;
	v10 =	vld.idx.msk [tilespmem:v49+s7+$0x0], $0xffff;
	_ =	sdelay $0x3  }
0x111: {  	v0 =	vld [tilespmem:s15+$0x10];
	v1 =	vmax.f32 v1, $0.0e+00;
	v5 =	vadd.f32 v5, v11  }
0x112: {  	v3 =	vmax.f32 v14, $0.0e+00;
	v1 =	vmul.f32 v1, v28;
	[tilespmem:$0x1FB90] =	vst v10;
	v10 =	vld.idx.msk [tilespmem:v48+s7+$0x0], $0xffff  }
0x113: {  	v2 =	vadd.f32 v8, v2;
	v3 =	vmul.f32 v3, v28;
	[tilespmem:$0x1FBC0] =	vst v5;
	v5 =	vld [tilespmem:s15+$0xFFFFFFE0]  }
0x114: {  	[tilespmem:$0x1FC60] =	vst v1;
	v1 =	vld.idx.msk [tilespmem:v45+s7+$0x0], $0xffff  }
0x115: {  	[tilespmem:$0x1FB70] =	vst v2;
	v2 =	vld [tilespmem:s15+$0xFFFFFFF0];
	v3 =	vadd.f32 v3, v9  }
0x116: {  	[tilespmem:$0x1FB10] =	vst v25  }
0x117: {  	[tilespmem:$0x1FCC0] =	vst v3;
	v3 =	vshra.s32 v0, $0x18  }
0x118: {  	v6 =	vadd.f32 v12, v7;
	v25 =	vld [tilespmem:$0x1FFA0];
	v30 =	vmul.u32 $0x11, v3;
	[tilespmem:$0x1FC10] =	vst v10  }
0x119: {  	v8 =	vld [tilespmem:s15+$0x0];
	v10 =	vshrl.u32 v5, $0x10;
	[tilespmem:$0x1FBD0] =	vst v1;
	v1 =	vadd.f32 v4, v13  }
0x11a: {  	[tilespmem:$0x1FB80] =	vst v18;
	v11 =	vld.idx.msk [tilespmem:v44+s7+$0x0], $0xffff;
	v4 =	vmax.f32 v6, $0.0e+00;
	v13 =	vshrl.u32 v2, $0x10;
	v18 =	vadd.s32 $0x21AF, v30  }
0x11b: {  	v6 =	vld.idx.msk [tilespmem:v46+s7+$0x0], $0xffff;
	v10 =	vand.u32 $0xFF, v10;
	v20 =	vadd.s32 $0x21AE, v30;
	[tilespmem:$0x1FB20] =	vst v4;
	v13 =	vand.u32 $0xFF, v13  }
0x11c: {  	v4 =	vld.idx.msk [tilespmem:v42+s7+$0x0], $0xffff;
	v48 =	vmul.u32 $0x11, v10;
	v10 =	vadd.s32 $0x21AD, v30;
	[tilespmem:$0x1FBF0] =	vst v1;
	v1 =	vand.u32 $0xFF, v0  }
0x11d: {  	v49 =	vmul.u32 $0x11, v13;
	v13 =	vshra.s32 v5, $0x18;
	v9 =	vmul.u32 $0x11, v1;
	v1 =	vld.idx.msk [tilespmem:v43+s7+$0x0], $0xffff  }
0x11e: {  	v16 =	vshrl.u32 v8, $0x10;
	v53 =	vmul.u32 $0x11, v13;
	v13 =	vld [tilespmem:$0x1FF80]  }
0x11f: {  	v14 =	vand.u32 $0xFF, v8;
	v16 =	vand.u32 $0xFF, v16;
	v12 =	vadd.s32 $0x8, v9;
	v27 =	vld.idx.msk [tilespmem:v18+s7+$0x0], $0xffff  }
0x120: {  	v50 =	vmul.u32 $0x11, v16;
	[tilespmem:$0x1FB40] =	vst v6;
	v6 =	vshrl.u32 v5, $0x8;
	v17 =	vadd.s32 $0x7, v9;
	v33 =	vld.idx.msk [tilespmem:v20+s7+$0x0], $0xffff  }
0x121: {  	v46 =	vmul.u32 $0x11, v14;
	v14 =	vadd.s32 $0x6, v9;
	v6 =	vand.u32 $0xFF, v6;
	v39 =	vld.idx.msk [tilespmem:v10+s7+$0x0], $0xffff  }
0x122: {  	v7 =	vadd.s32 $0x21B2, v30;
	v22 =	vadd.s32 $0x5, v9;
	v45 =	vmul.u32 $0x11, v6;
	v6 =	vld.idx.msk [tilespmem:v47+s7+$0x0], $0xffff  }
0x123: {  	v15 =	vadd.s32 $0x21B0, v30;
	v16 =	vadd.s32 $0x3, v9;
	[tilespmem:$0x1FC00] =	vst v4;
	v4 =	vshrl.u32 v2, $0x8;
	v29 =	vld.idx.msk [tilespmem:v9+s7+$0x0], $0xffff  }
0x124: {  	[tilespmem:$0x1FC80] =	vst v21;
	v20 =	vadd.s32 $0x2, v9;
	v3 =	vand.u32 $0xFF, v4;
	v4 =	vshrl.u32 v8, $0x8;
	v21 =	vld.idx.msk [tilespmem:v12+s7+$0x0], $0xffff  }
0x125: {  	v8 =	vshra.s32 v8, $0x18;
	[tilespmem:$0x1FB00] =	vst v1;
	v1 =	vand.u32 $0xFF, v2;
	v4 =	vand.u32 $0xFF, v4;
	v31 =	vld.idx.msk [tilespmem:v17+s7+$0x0], $0xffff  }
0x126: {  	v43 =	vmul.u32 $0x11, v3;
	v3 =	vadd.s32 $0x9, v9;
	v42 =	vmul.u32 $0x11, v4;
	v12 =	vld.idx.msk [tilespmem:v14+s7+$0x0], $0xffff  }
0x127: {  	v4 =	vadd.s32 $0x21B1, v30;
	v47 =	vmul.u32 $0x11, v1;
	v14 =	vshrl.u32 v0, $0x8;
	v37 =	vld.idx.msk [tilespmem:v22+s7+$0x0], $0xffff  }
0x128: {  	v0 =	vshrl.u32 v0, $0x10;
	v17 =	vadd.s32 $0x21AB, v30;
	v55 =	vld.idx.msk [tilespmem:v16+s7+$0x0], $0xffff;
	v14 =	vand.u32 $0xFF, v14  }
0x129: {  	v57 =	vld.idx.msk [tilespmem:v20+s7+$0x0], $0xffff;
	v0 =	vand.u32 $0xFF, v0;
	[tilespmem:$0x1FC20] =	vst v6;
	v6 =	vand.u32 $0xFF, v5;
	v5 =	vadd.s32 $0x4, v9  }
0x12a: {  	v38 =	vmul.u32 $0x11, v14;
	v9 =	vadd.s32 $0x1, v9;
	v44 =	vmul.u32 $0x11, v6;
	v6 =	vld.idx.msk [tilespmem:v7+s7+$0x0], $0xffff  }
0x12b: {  	v40 =	vmul.u32 $0x11, v0;
	v7 =	vld.idx.msk [tilespmem:v15+s7+$0x0], $0xffff;
	v15 =	vshra.s32 v2, $0x18;
	v2 =	vadd.s32 $0x21AC, v30  }
0x12c: {  	[tilespmem:$0x1FC40] =	vst v11;
	v52 =	vmul.u32 $0x11, v8;
	v0 =	vadd.s32 $0x1, v47;
	v1 =	vld.idx.msk [tilespmem:v3+s7+$0x0], $0xffff;
	v10 =	vadd.s32 $0xB39, v38  }
0x12d: {  	[tilespmem:$0x1F9A0] =	vst v0;
	v0 =	vadd.s32 $0x1, v46;
	v11 =	vld.idx.msk [tilespmem:v4+s7+$0x0], $0xffff;
	v22 =	vadd.s32 $0x1672, v40  }
0x12e: {  	v3 =	vadd.s32 $0x21AB, v52;
	[tilespmem:$0x1F9B0] =	vst v0;
	v20 =	vadd.s32 $0xB3B, v38;
	v56 =	vld.idx.msk [tilespmem:v17+s7+$0x0], $0xffff  }
0x12f: {  	v0 =	vadd.s32 $0x1673, v49;
	[tilespmem:$0x1FA30] =	vst v3;
	v17 =	vadd.s32 $0xB3A, v38;
	v8 =	vld.idx.msk [tilespmem:v9+s7+$0x0], $0xffff  }
0x130: {  	v60 =	vadd.s32 $0xB3C, v38;
	v3 =	vadd.s32 $0x2, v46;
	[tilespmem:$0x1F9C0] =	vst v0;
	v54 =	vld.idx.msk [tilespmem:v2+s7+$0x0], $0xffff  }
0x131: {  	v58 =	vadd.s32 $0x1673, v40;
	v0 =	vadd.s32 $0xB3B, v43;
	[tilespmem:$0x1FA40] =	vst v3;
	v59 =	vld.idx.msk [tilespmem:v10+s7+$0x0], $0xffff  }
0x132: {  	[tilespmem:$0x1F9D0] =	vst v0;
	v0 =	vadd.s32 $0xB3B, v42;
	v2 =	vadd.s32 $0x1675, v40;
	v61 =	vld.idx.msk [tilespmem:v22+s7+$0x0], $0xffff  }
0x133: {  	[tilespmem:$0x1F9E0] =	vst v0;
	v4 =	vld.idx.msk [tilespmem:v20+s7+$0x0], $0xffff  }
0x134: {  	v51 =	vmul.u32 $0x11, v15;
	v62 =	vadd.s32 $0x1674, v40;
	[tilespmem:$0x1F980] =	vst v1;
	v1 =	vadd.s32 $0x21AB, v53;
	v63 =	vld.idx.msk [tilespmem:v17+s7+$0x0], $0xffff  }
0x135: {  	v0 =	vadd.s32 $0xB3D, v38;
	[tilespmem:$0x1F9F0] =	vst v1;
	v1 =	vadd.s32 $0x2, v44;
	v60 =	vld.idx.msk [tilespmem:v60+s7+$0x0], $0xffff  }
0x136: {  	v58 =	vld.idx.msk [tilespmem:v58+s7+$0x0], $0xffff;
	[tilespmem:$0x1FA00] =	vst v1;
	v1 =	vadd.s32 $0x21AB, v51  }
0x137: {  	v3 =	vadd.s32 $0x1676, v40;
	[tilespmem:$0x1FA10] =	vst v1;
	v1 =	vadd.s32 $0x2, v47;
	v2 =	vld.idx.msk [tilespmem:v2+s7+$0x0], $0xffff  }
0x138: {  	v41 =	vld.idx.msk [tilespmem:v5+s7+$0x0], $0xffff;
	[tilespmem:$0x1FA20] =	vst v1;
	v1 =	vadd.s32 $0xB3E, v38;
	v29 =	vadd.f32 v59, v29  }
0x139: {  	v5 =	vadd.s32 $0x1674, v48;
	v59 =	vld.idx.msk [tilespmem:v62+s7+$0x0], $0xffff;
	v4 =	vadd.f32 v4, v57;
	v8 =	vadd.f32 v63, v8  }
0x13a: {  	[tilespmem:$0x1FA50] =	vst v5;
	v5 =	vld.idx.msk [tilespmem:v0+s7+$0x0], $0xffff;
	v57 =	vadd.s32 $0x1678, v40;
	v55 =	vadd.f32 v60, v55;
	v29 =	vadd.f32 v61, v29  }
0x13b: {  	v14 =	vld [tilespmem:$0x1FF90];
	v8 =	vadd.f32 v58, v8  }
0x13c: {  	v3 =	vld.idx.msk [tilespmem:v3+s7+$0x0], $0xffff;
	v60 =	vadd.s32 $0x1679, v40;
	v29 =	vadd.f32 v56, v29;
	v2 =	vadd.f32 v2, v55  }
0x13d: {  	v1 =	vld.idx.msk [tilespmem:v1+s7+$0x0], $0xffff;
	v8 =	vadd.f32 v54, v8  }
0x13e: {  	v4 =	vadd.f32 v59, v4;
	v29 =	vmax.f32 v29, $0.0e+00;
	v2 =	vadd.f32 v33, v2;
	v33 =	vld [tilespmem:$0x1FFB0]  }
0x13f: {  	v0 =	vadd.s32 $0x1677, v40;
	v5 =	vadd.f32 v5, v41;
	v54 =	vld.idx.msk [tilespmem:v57+s7+$0x0], $0xffff;
	v29 =	vmul.f32 v29, v13  }
0x140: {  	v57 =	vld [tilespmem:$0x1FFC0];
	v8 =	vmax.f32 v8, $0.0e+00;
	v4 =	vadd.f32 v39, v4  }
0x141: {  	v3 =	vadd.f32 v3, v5;
	v5 =	vld.idx.msk [tilespmem:v60+s7+$0x0], $0xffff;
	v8 =	vmul.f32 v8, v25;
	v29 =	vadd.f32 v29, v14  }
0x142: {  	v60 =	vld [tilespmem:$0x1FFD0];
	v4 =	vmax.f32 v4, $0.0e+00  }
0x143: {  	v62 =	vadd.s32 $0xB3F, v38;
	v8 =	vadd.f32 v8, v29;
	v4 =	vmul.f32 v4, v33  }
0x144: {  	v0 =	vld.idx.msk [tilespmem:v0+s7+$0x0], $0xffff;
	v3 =	vadd.f32 v27, v3;
	v2 =	vmax.f32 v2, $0.0e+00  }
0x145: {  	v61 =	vadd.s32 $0xB40, v38;
	v2 =	vmul.f32 v2, v57;
	v4 =	vadd.f32 v4, v8  }
0x146: {  	[tilespmem:$0x1F990] =	vst v6;
	v6 =	vadd.s32 $0x21B3, v30;
	v56 =	vadd.s32 $0xB41, v38;
	v3 =	vmax.f32 v3, $0.0e+00  }
0x147: {  	v10 =	vld [tilespmem:$0x1F990];
	v1 =	vadd.f32 v1, v37;
	v3 =	vmul.f32 v3, v60;
	v2 =	vadd.f32 v2, v4  }
0x148: {  	v63 =	vadd.s32 $0x167B, v40;
	v38 =	vadd.s32 $0xB42, v38;
	v58 =	vld.idx.msk [tilespmem:v62+s7+$0x0], $0xffff  }
0x149: {  	v40 =	vadd.s32 $0x167A, v40;
	v0 =	vadd.f32 v0, v1;
	v2 =	vadd.f32 v3, v2;
	v3 =	vld [tilespmem:$0x1FFE0]  }
0x14a: {  	v62 =	vld.idx.msk [tilespmem:v61+s7+$0x0], $0xffff  }
0x14b: {  	v6 =	vld.idx.msk [tilespmem:v6+s7+$0x0], $0xffff;
	v0 =	vadd.f32 v7, v0  }
0x14c: {  	v55 =	vld.idx.msk [tilespmem:v56+s7+$0x0], $0xffff  }
0x14d: {  	v38 =	vld.idx.msk [tilespmem:v38+s7+$0x0], $0xffff;
	v0 =	vmax.f32 v0, $0.0e+00  }
0x14e: {  	v30 =	vadd.s32 $0x21B4, v30;
	v12 =	vadd.f32 v58, v12;
	v1 =	vld.idx.msk [tilespmem:v40+s7+$0x0], $0xffff;
	v0 =	vmul.f32 v0, v3  }
0x14f: {  	v8 =	vadd.f32 v62, v31;
	v3 =	vld [tilespmem:$0x1F980]  }
0x150: {  	v7 =	vadd.f32 v54, v12;
	v0 =	vadd.f32 v0, v2;
	v2 =	vld [tilespmem:$0x1FFF0]  }
0x151: {  	v12 =	vld.idx.msk [tilespmem:v63+s7+$0x0], $0xffff;
	v5 =	vadd.f32 v5, v8  }
0x152: {  	v7 =	vadd.f32 v11, v7;
	v4 =	vadd.f32 v55, v21  }
0x153: {  	v8 =	vld.idx.msk [tilespmem:v30+s7+$0x0], $0xffff;
	v5 =	vadd.f32 v10, v5  }
0x154: {  	v29 =	vld [tilespmem:$0x1FEE0];
	v7 =	vmax.f32 v7, $0.0e+00;
	v1 =	vadd.f32 v1, v4;
	v3 =	vadd.f32 v38, v3  }
0x155: {  	[tilespmem:$0x1FBA0] =	vst v19;
	v19 =	vadd.s32 $0xB39, v45;
	v2 =	vmul.f32 v7, v2  }
0x156: {  	v30 =	vld [tilespmem:$0x1FF00];
	v5 =	vmax.f32 v5, $0.0e+00;
	v1 =	vadd.f32 v6, v1;
	v3 =	vadd.f32 v12, v3  }
0x157: {  	v0 =	vadd.f32 v2, v0;
	v2 =	vmul.f32 v5, v28  }
0x158: {  	v1 =	vmax.f32 v1, $0.0e+00;
	v3 =	vadd.f32 v8, v3  }
0x159: {  	v1 =	vmul.f32 v1, v29;
	v0 =	vadd.f32 v2, v0  }
0x15a: {  	v32 =	vadd.s32 $0x1672, v48;
	v3 =	vmax.f32 v3, $0.0e+00  }
0x15b: {  	v19 =	vld.idx.msk [tilespmem:v19+s7+$0x0], $0xffff;
	v0 =	vadd.f32 v1, v0;
	v1 =	vmul.f32 v3, v30  }
0x15c: {  	v4 =	vld.idx.msk [tilespmem:v44+s7+$0x0], $0xffff  }
0x15d: {  	v23 =	vadd.s32 $0xB39, v43;
	v1 =	vadd.f32 v1, v0;
	v0 =	vld [tilespmem:$0x1F9A0]  }
0x15e: {  	v36 =	vadd.s32 $0xB39, v42  }
0x15f: {  	v16 =	vadd.s32 $0x1, v44;
	v5 =	vld.idx.msk [tilespmem:v32+s7+$0x0], $0xffff;
	_ =	sdelay $0x2  }
0x160: {  	v21 =	vld.idx.msk [tilespmem:v23+s7+$0x0], $0xffff;
	v4 =	vadd.f32 v19, v4  }
0x161: {  	v23 =	vld.idx.msk [tilespmem:v36+s7+$0x0], $0xffff  }
0x162: {  	v18 =	vadd.s32 $0x1672, v49;
	v32 =	vadd.f32 v5, v4;
	v4 =	vld.idx.msk [tilespmem:v16+s7+$0x0], $0xffff  }
0x163: {  	v16 =	vld.idx.msk [tilespmem:v0+s7+$0x0], $0xffff  }
0x164: {  	v0 =	vld [tilespmem:$0x1F9B0]  }
0x165: {  	v7 =	vld.idx.msk [tilespmem:v47+s7+$0x0], $0xffff  }
0x166: {  	v34 =	vadd.s32 $0xB3A, v42;
	v6 =	vld.idx.msk [tilespmem:v46+s7+$0x0], $0xffff  }
0x167: {  	v2 =	vld.idx.msk [tilespmem:v18+s7+$0x0], $0xffff;
	_ =	sdelay $0x2  }
0x168: {  	v7 =	vadd.f32 v21, v7  }
0x169: {  	v35 =	vadd.s32 $0x1672, v50;
	v6 =	vadd.f32 v23, v6;
	v23 =	vld.idx.msk [tilespmem:v34+s7+$0x0], $0xffff  }
0x16a: {  	v34 =	vadd.f32 v2, v7;
	v7 =	vld.idx.msk [tilespmem:v0+s7+$0x0], $0xffff;
	v0 =	vadd.s32 $0x1676, v48  }
0x16b: {  	[tilespmem:$0x1FA80] =	vst v0;
	v0 =	vld [tilespmem:$0x1F9C0];
	_ =	sdelay $0x2  }
0x16c: {  	v21 =	vld.idx.msk [tilespmem:v35+s7+$0x0], $0xffff;
	_ =	sdelay $0x4  }
0x16d: {  	[tilespmem:$0x1FB50] =	vst v26;
	v10 =	vadd.f32 v21, v6;
	v21 =	vld.idx.msk [tilespmem:v0+s7+$0x0], $0xffff;
	v0 =	vadd.s32 $0x21AD, v52  }
0x16e: {  	v26 =	vadd.s32 $0xB3A, v45;
	[tilespmem:$0x1FA60] =	vst v0;
	v0 =	vadd.s32 $0x4, v46  }
0x16f: {  	[tilespmem:$0x1FA70] =	vst v0;
	v0 =	vadd.s32 $0xB3E, v45  }
0x170: {  	[tilespmem:$0x1FA90] =	vst v0;
	v0 =	vld [tilespmem:$0x1F9D0]  }
0x171: {  	[tilespmem:$0x1FC70] =	vst v24;
	v24 =	vadd.s32 $0xB3A, v43  }
0x172: {  	v15 =	vadd.s32 $0x1673, v48  }
0x173: {  	v8 =	vld.idx.msk [tilespmem:v26+s7+$0x0], $0xffff;
	_ =	sdelay $0x2  }
0x174: {  	v19 =	vld.idx.msk [tilespmem:v24+s7+$0x0], $0xffff  }
0x175: {  	v24 =	vld.idx.msk [tilespmem:v15+s7+$0x0], $0xffff  }
0x176: {  	v15 =	vadd.f32 v8, v4;
	v8 =	vld.idx.msk [tilespmem:v0+s7+$0x0], $0xffff;
	v0 =	vadd.s32 $0x1676, v49  }
0x177: {  	[tilespmem:$0x1FAA0] =	vst v0;
	v0 =	vadd.s32 $0xB3E, v43  }
0x178: {  	[tilespmem:$0x1FAB0] =	vst v0;
	v0 =	vadd.s32 $0x1676, v50  }
0x179: {  	[tilespmem:$0x1FAC0] =	vst v0;
	v0 =	vadd.s32 $0x21AE, v53  }
0x17a: {  	[tilespmem:$0x1FAD0] =	vst v0;
	v0 =	vld [tilespmem:$0x1F9E0];
	_ =	sdelay $0x7  }
0x17b: {  	v36 =	vadd.f32 v23, v7;
	v7 =	vld.idx.msk [tilespmem:v0+s7+$0x0], $0xffff  }
0x17c: {  	v0 =	vld [tilespmem:$0x1F9F0];
	_ =	sdelay $0x7  }
0x17d: {  	v2 =	vld.idx.msk [tilespmem:v0+s7+$0x0], $0xffff;
	v0 =	vadd.s32 $0x21AE, v51  }
0x17e: {  	[tilespmem:$0x1FAE0] =	vst v0;
	v0 =	vld [tilespmem:$0x1FA00];
	_ =	sdelay $0x7  }
0x17f: {  	v4 =	vld.idx.msk [tilespmem:v0+s7+$0x0], $0xffff;
	v0 =	vadd.s32 $0x5, v47  }
0x180: {  	[tilespmem:$0x1FAF0] =	vst v0;
	v0 =	vadd.s32 $0x21AE, v52  }
0x181: {  	[tilespmem:$0x1FB30] =	vst v0;
	v0 =	vadd.s32 $0x5, v46  }
0x182: {  	[tilespmem:$0x1FB60] =	vst v0;
	v0 =	vadd.s32 $0x1677, v48  }
0x183: {  	[tilespmem:$0x1FBB0] =	vst v0;
	v0 =	vadd.s32 $0xB3F, v45  }
0x184: {  	[tilespmem:$0x1FBE0] =	vst v0;
	v0 =	vld [tilespmem:$0x1FA10];
	_ =	sdelay $0x6  }
0x185: {  	s13 =	sadd.s32 $0x40, s13;
	v9 =	vadd.s32 $0xB3B, v45  }
0x186: {  	v22 =	vadd.s32 $0x1673, v50;
	[tilespmem:s13+$0x10] =	vst v1;
	v1 =	vld.idx.msk [tilespmem:v0+s7+$0x0], $0xffff  }
0x187: {  	v20 =	vadd.s32 $0x21AC, v52;
	v0 =	vld [tilespmem:$0x1FA20];
	_ =	sdelay $0x1  }
0x188: {  	v17 =	vadd.s32 $0x3, v44  }
0x189: {  	v9 =	vld.idx.msk [tilespmem:v9+s7+$0x0], $0xffff  }
0x18a: {  	v22 =	vld.idx.msk [tilespmem:v22+s7+$0x0], $0xffff;
	v58 =	vadd.s32 $0xB3D, v43  }
0x18b: {  	v20 =	vld.idx.msk [tilespmem:v20+s7+$0x0], $0xffff  }
0x18c: {  	v31 =	vadd.s32 $0x1674, v49;
	v5 =	vld [tilespmem:$0x1FA50]  }
0x18d: {  	v17 =	vld.idx.msk [tilespmem:v17+s7+$0x0], $0xffff;
	v54 =	vadd.s32 $0xB3C, v43  }
0x18e: {  	v18 =	vadd.s32 $0x21AC, v51;
	v6 =	vld.idx.msk [tilespmem:v0+s7+$0x0], $0xffff;
	v0 =	vadd.s32 $0x1677, v50  }
0x18f: {  	v58 =	vld.idx.msk [tilespmem:v58+s7+$0x0], $0xffff;
	[tilespmem:$0x1FC30] =	vst v0;
	v0 =	vadd.s32 $0x21AF, v53  }
0x190: {  	v56 =	vadd.s32 $0x21AC, v53;
	[tilespmem:$0x1FC50] =	vst v0;
	v0 =	vld [tilespmem:$0x1FA30]  }
0x191: {  	v11 =	vadd.s32 $0xB3C, v45;
	v31 =	vld.idx.msk [tilespmem:v31+s7+$0x0], $0xffff;
	v12 =	vadd.s32 $0x6, v46  }
0x192: {  	[tilespmem:$0x1FCB0] =	vst v12;
	v12 =	vld.idx.msk [tilespmem:v54+s7+$0x0], $0xffff;
	v35 =	vadd.f32 v19, v16;
	v16 =	vadd.f32 v22, v36;
	v36 =	vadd.s32 $0x6, v44  }
0x193: {  	v18 =	vld.idx.msk [tilespmem:v18+s7+$0x0], $0xffff  }
0x194: {  	v5 =	vld.idx.msk [tilespmem:v5+s7+$0x0], $0xffff;
	v2 =	vadd.f32 v2, v32;
	v32 =	vadd.s32 $0x21AF, v52  }
0x195: {  	v6 =	vadd.f32 v8, v6;
	v8 =	vld.idx.msk [tilespmem:v56+s7+$0x0], $0xffff  }
0x196: {  	v62 =	vadd.s32 $0xB3C, v42;
	v4 =	vadd.f32 v9, v4;
	v9 =	vld.idx.msk [tilespmem:v11+s7+$0x0], $0xffff;
	v11 =	vadd.s32 $0x1678, v48  }
0x197: {  	v28 =	vadd.s32 $0xB3D, v45;
	v36 =	vld.idx.msk [tilespmem:v36+s7+$0x0], $0xffff;
	[tilespmem:$0x1FCD0] =	vst v11;
	v11 =	vadd.s32 $0xB40, v45  }
0x198: {  	v19 =	vadd.f32 v24, v15;
	v23 =	vadd.s32 $0xB3E, v42;
	[tilespmem:$0x1FCE0] =	vst v11;
	v3 =	vld.idx.msk [tilespmem:v0+s7+$0x0], $0xffff;
	v0 =	vadd.s32 $0x21AF, v51  }
0x199: {  	v40 =	vadd.s32 $0x21AD, v53;
	v55 =	vadd.s32 $0x1674, v50;
	v32 =	vld.idx.msk [tilespmem:v32+s7+$0x0], $0xffff;
	[tilespmem:$0x1FC90] =	vst v0;
	v0 =	vadd.s32 $0x6, v47  }
0x19a: {  	v2 =	vmax.f32 v2, $0.0e+00;
	v11 =	vadd.s32 $0x1678, v49;
	v8 =	vadd.f32 v8, v19;
	[tilespmem:$0x1FCA0] =	vst v0;
	v0 =	vld [tilespmem:$0x1FA40]  }
0x19b: {  	v41 =	vadd.s32 $0x4, v44;
	v2 =	vmul.f32 v2, v13;
	[tilespmem:$0x1FCF0] =	vst v11;
	v11 =	vld.idx.msk [tilespmem:v62+s7+$0x0], $0xffff  }
0x19c: {  	v61 =	vadd.s32 $0x21AD, v51;
	v9 =	vadd.f32 v9, v17;
	v17 =	vld.idx.msk [tilespmem:v28+s7+$0x0], $0xffff;
	v8 =	vmax.f32 v8, $0.0e+00  }
0x19d: {  	v59 =	vadd.s32 $0x1675, v48;
	v2 =	vadd.f32 v2, v14;
	v19 =	vld.idx.msk [tilespmem:v23+s7+$0x0], $0xffff;
	v8 =	vmul.f32 v8, v25  }
0x19e: {  	v27 =	vadd.s32 $0x3, v46;
	v1 =	vadd.f32 v1, v34;
	v3 =	vadd.f32 v3, v10;
	v10 =	vld.idx.msk [tilespmem:v55+s7+$0x0], $0xffff  }
0x19f: {  	v39 =	vadd.s32 $0x1675, v50;
	v5 =	vadd.f32 v5, v4;
	v2 =	vadd.f32 v8, v2;
	v8 =	vld.idx.msk [tilespmem:v40+s7+$0x0], $0xffff  }
0x1a0: {  	v4 =	vadd.s32 $0x7, v46;
	v1 =	vmax.f32 v1, $0.0e+00;
	v40 =	vld.idx.msk [tilespmem:v41+s7+$0x0], $0xffff;
	v3 =	vmax.f32 v3, $0.0e+00  }
0x1a1: {  	[tilespmem:$0x1FD20] =	vst v4;
	v1 =	vmul.f32 v1, v13;
	v41 =	vld.idx.msk [tilespmem:v61+s7+$0x0], $0xffff;
	v3 =	vmul.f32 v3, v13;
	v13 =	vadd.s32 $0xB41, v43  }
0x1a2: {  	v26 =	vadd.s32 $0x3, v47;
	v15 =	vadd.f32 v21, v35;
	[tilespmem:$0x1FD40] =	vst v13;
	v13 =	vadd.s32 $0x1679, v50;
	v0 =	vld.idx.msk [tilespmem:v0+s7+$0x0], $0xffff  }
0x1a3: {  	v1 =	vadd.f32 v1, v14;
	v3 =	vadd.f32 v3, v14;
	v14 =	vld.idx.msk [tilespmem:v59+s7+$0x0], $0xffff;
	[tilespmem:$0x1FD50] =	vst v13;
	v13 =	vadd.s32 $0xB41, v42  }
0x1a4: {  	v6 =	vadd.f32 v31, v6;
	v5 =	vadd.f32 v8, v5;
	v8 =	vld [tilespmem:$0x1FA80];
	[tilespmem:$0x1FD60] =	vst v13;
	v13 =	vadd.s32 $0x21B1, v53  }
0x1a5: {  	v37 =	vadd.s32 $0x1675, v49;
	v17 =	vadd.f32 v17, v40;
	v40 =	vld [tilespmem:$0x1FB30];
	[tilespmem:$0x1FD70] =	vst v13;
	v13 =	vadd.s32 $0x8, v44  }
0x1a6: {  	v6 =	vadd.f32 v41, v6;
	v41 =	vld [tilespmem:$0x1FB50];
	[tilespmem:$0x1FD80] =	vst v13;
	v13 =	vadd.f32 v18, v15;
	v15 =	vadd.s32 $0x21B1, v51  }
0x1a7: {  	[tilespmem:$0x1FD90] =	vst v15;
	v15 =	vadd.f32 v20, v16;
	v20 =	vld.idx.msk [tilespmem:v39+s7+$0x0], $0xffff;
	v7 =	vadd.f32 v7, v0;
	v0 =	vadd.s32 $0x21B0, v51  }
0x1a8: {  	v63 =	vadd.s32 $0x4, v47;
	v38 =	vadd.s32 $0xB3D, v42;
	v39 =	vld [tilespmem:$0x1FED0];
	[tilespmem:$0x1FD00] =	vst v0;
	v0 =	vadd.s32 $0x21B0, v52  }
0x1a9: {  	v24 =	vadd.s32 $0x5, v44;
	v22 =	vadd.s32 $0xB3F, v42;
	v16 =	vadd.s32 $0x21B2, v51;
	[tilespmem:$0x1FD10] =	vst v0;
	v0 =	vld.idx.msk [tilespmem:v26+s7+$0x0], $0xffff  }
0x1aa: {  	v21 =	vadd.s32 $0x1677, v49;
	v62 =	vadd.s32 $0xB40, v42;
	[tilespmem:$0x1FDC0] =	vst v16;
	v16 =	vadd.s32 $0x9, v47;
	v26 =	vld.idx.msk [tilespmem:v27+s7+$0x0], $0xffff  }
0x1ab: {  	v4 =	vadd.s32 $0x1679, v48;
	v34 =	vadd.s32 $0x1678, v50;
	v15 =	vmax.f32 v15, $0.0e+00;
	[tilespmem:$0x1FDD0] =	vst v16;
	v16 =	vld [tilespmem:$0x1FA70]  }
0x1ac: {  	v31 =	vadd.s32 $0x7, v47;
	v55 =	vadd.s32 $0x7, v44;
	v15 =	vmul.f32 v15, v25;
	v8 =	vld.idx.msk [tilespmem:v8+s7+$0x0], $0xffff  }
0x1ad: {  	v61 =	vadd.s32 $0x9, v44;
	v59 =	vadd.s32 $0xB42, v42;
	v42 =	vadd.s32 $0x167B, v50;
	v27 =	vld.idx.msk [tilespmem:v37+s7+$0x0], $0xffff  }
0x1ae: {  	v5 =	vmax.f32 v5, $0.0e+00;
	v6 =	vmax.f32 v6, $0.0e+00;
	v3 =	vadd.f32 v15, v3;
	v15 =	vld [tilespmem:$0x1FA60]  }
0x1af: {  	v44 =	vadd.s32 $0x21B4, v52;
	v18 =	vadd.s32 $0xB42, v45;
	v11 =	vadd.f32 v11, v26;
	v26 =	vld.idx.msk [tilespmem:v38+s7+$0x0], $0xffff  }
0x1b0: {  	[tilespmem:$0x1FD30] =	vst v4;
	v5 =	vmul.f32 v5, v33;
	v4 =	vadd.f32 v10, v7;
	v7 =	vadd.s32 $0xB41, v45;
	v38 =	vld.idx.msk [tilespmem:v63+s7+$0x0], $0xffff  }
0x1b1: {  	v10 =	vadd.s32 $0x1679, v49;
	v45 =	vadd.s32 $0x167B, v49;
	v8 =	vadd.f32 v8, v17;
	v17 =	vld.idx.msk [tilespmem:v24+s7+$0x0], $0xffff  }
0x1b2: {  	v0 =	vadd.f32 v12, v0;
	v12 =	vadd.s32 $0x8, v47;
	v47 =	vadd.s32 $0x21B4, v51;
	v24 =	vld [tilespmem:$0x1FAF0]  }
0x1b3: {  	[tilespmem:$0x1FDA0] =	vst v12;
	v12 =	vmax.f32 v13, $0.0e+00;
	v13 =	vadd.s32 $0x21B1, v52;
	v11 =	vadd.f32 v20, v11;
	v20 =	vld.idx.msk [tilespmem:v16+s7+$0x0], $0xffff  }
0x1b4: {  	v12 =	vmul.f32 v12, v25;
	v0 =	vadd.f32 v27, v0;
	v27 =	vadd.s32 $0x167A, v50;
	v50 =	vld [tilespmem:$0x1FB60]  }
0x1b5: {  	[tilespmem:$0x1FDB0] =	vst v13;
	v25 =	vadd.s32 $0x167A, v49;
	v16 =	vadd.s32 $0x21B2, v52;
	v49 =	vadd.s32 $0x21B3, v52;
	v52 =	vld [tilespmem:$0x1FB80]  }
0x1b6: {  	v13 =	vadd.s32 $0x8, v46;
	[tilespmem:$0x1FDE0] =	vst v16;
	v16 =	vadd.s32 $0x9, v46;
	v46 =	vadd.s32 $0x21B3, v51;
	v51 =	vld [tilespmem:$0x1FB70]  }
0x1b7: {  	v2 =	vadd.f32 v5, v2;
	v5 =	vmul.f32 v6, v33;
	v1 =	vadd.f32 v12, v1;
	[tilespmem:$0x1FDF0] =	vst v16;
	v16 =	vld [tilespmem:$0x1FA90]  }
0x1b8: {  	v15 =	vld.idx.msk [tilespmem:v15+s7+$0x0], $0xffff  }
0x1b9: {  	v1 =	vadd.f32 v5, v1;
	v5 =	vld [tilespmem:$0x1FAE0]  }
0x1ba: {  	v38 =	vadd.f32 v58, v38;
	v58 =	vld [tilespmem:$0x1FBA0]  }
0x1bb: {  	v6 =	vadd.f32 v26, v20;
	v20 =	vld [tilespmem:$0x1FAD0]  }
0x1bc: {  	v26 =	vld [tilespmem:$0x1FB10]  }
0x1bd: {  	v4 =	vadd.f32 v15, v4;
	v15 =	vld [tilespmem:$0x1FAC0]  }
0x1be: {  	v24 =	vld.idx.msk [tilespmem:v24+s7+$0x0], $0xffff  }
0x1bf: {  	v54 =	vadd.s32 $0xB40, v43;
	v35 =	vadd.s32 $0xB3F, v43;
	v28 =	vld.idx.msk [tilespmem:v16+s7+$0x0], $0xffff;
	v16 =	vadd.s32 $0x167B, v48  }
0x1c0: {  	v56 =	vadd.s32 $0x21B0, v53;
	v9 =	vadd.f32 v14, v9;
	v4 =	vmax.f32 v4, $0.0e+00;
	[tilespmem:$0x1FE00] =	vst v16;
	v16 =	vld [tilespmem:$0x1FAA0]  }
0x1c1: {  	v14 =	vadd.s32 $0x167A, v48;
	v63 =	vadd.s32 $0x21B2, v53;
	v4 =	vmul.f32 v4, v33;
	v5 =	vld.idx.msk [tilespmem:v5+s7+$0x0], $0xffff  }
0x1c2: {  	v12 =	vadd.s32 $0xB42, v43;
	v43 =	vadd.s32 $0x21B3, v53;
	v48 =	vadd.s32 $0x21B4, v53;
	v53 =	vld [tilespmem:$0x1FB90]  }
0x1c3: {  	v3 =	vadd.f32 v4, v3;
	v4 =	vld [tilespmem:$0x1FB00]  }
0x1c4: {  	v20 =	vld.idx.msk [tilespmem:v20+s7+$0x0], $0xffff  }
0x1c5: {  	v15 =	vld.idx.msk [tilespmem:v15+s7+$0x0], $0xffff  }
0x1c6: {  	v0 =	vadd.f32 v5, v0;
	v5 =	vld.idx.msk [tilespmem:v21+s7+$0x0], $0xffff  }
0x1c7: {  	v21 =	vld [tilespmem:$0x1FC10]  }
0x1c8: {  	v4 =	vadd.f32 v4, v26;
	v26 =	vld [tilespmem:$0x1FB20]  }
0x1c9: {  	v37 =	vld.idx.msk [tilespmem:v16+s7+$0x0], $0xffff  }
0x1ca: {  	v9 =	vadd.f32 v20, v9;
	v20 =	vld [tilespmem:$0x1FBB0]  }
0x1cb: {  	v16 =	vld [tilespmem:$0x1FAB0]  }
0x1cc: {  	v6 =	vadd.f32 v15, v6;
	v15 =	vld [tilespmem:$0x1FB40]  }
0x1cd: {  	v26 =	vmul.f32 v26, v39;
	v39 =	vadd.f32 v52, v51;
	v51 =	vld [tilespmem:$0x1FBD0]  }
0x1ce: {  	v23 =	vadd.f32 v37, v38;
	v37 =	vld.idx.msk [tilespmem:v40+s7+$0x0], $0xffff  }
0x1cf: {  	v38 =	vld.idx.msk [tilespmem:v50+s7+$0x0], $0xffff  }
0x1d0: {  	v50 =	vld [tilespmem:$0x1FBC0]  }
0x1d1: {  	v40 =	vadd.f32 v53, v58;
	v53 =	vld [tilespmem:$0x1FBF0]  }
0x1d2: {  	v58 =	vld [tilespmem:$0x1FC00]  }
0x1d3: {  	v52 =	vld [tilespmem:$0x1FBE0]  }
0x1d4: {  	v20 =	vld.idx.msk [tilespmem:v20+s7+$0x0], $0xffff  }
0x1d5: {  	v0 =	vmax.f32 v0, $0.0e+00;
	v9 =	vmax.f32 v9, $0.0e+00;
	v15 =	vadd.f32 v15, v41;
	v16 =	vld.idx.msk [tilespmem:v16+s7+$0x0], $0xffff  }
0x1d6: {  	v9 =	vmul.f32 v9, v57;
	v41 =	vadd.f32 v51, v50;
	v11 =	vadd.f32 v37, v11;
	v51 =	vld [tilespmem:$0x1FC30]  }
0x1d7: {  	v0 =	vmul.f32 v0, v57;
	v50 =	vadd.f32 v58, v53;
	v53 =	vld [tilespmem:$0x1FC40]  }
0x1d8: {  	v2 =	vadd.f32 v9, v2;
	v9 =	vadd.f32 v19, v38;
	v19 =	vld.idx.msk [tilespmem:v22+s7+$0x0], $0xffff;
	v11 =	vmax.f32 v11, $0.0e+00  }
0x1d9: {  	v17 =	vadd.f32 v28, v17;
	v0 =	vadd.f32 v0, v1;
	v1 =	vmul.f32 v11, v57;
	v11 =	vld [tilespmem:$0x1FC80]  }
0x1da: {  	v22 =	vld [tilespmem:$0x1FC50]  }
0x1db: {  	v17 =	vadd.f32 v20, v17;
	v20 =	vld [tilespmem:$0x1FC60]  }
0x1dc: {  	v58 =	vadd.f32 v53, v50;
	v50 =	vld [tilespmem:$0x1FC70]  }
0x1dd: {  	v28 =	vld.idx.msk [tilespmem:v52+s7+$0x0], $0xffff  }
0x1de: {  	v11 =	vadd.f32 v26, v11;
	v26 =	vld [tilespmem:$0x1FC90]  }
0x1df: {  	v16 =	vadd.f32 v16, v24;
	v52 =	vld.idx.msk [tilespmem:v51+s7+$0x0], $0xffff  }
0x1e0: {  	v15 =	vmax.f32 v15, $0.0e+00;
	v57 =	vld [tilespmem:$0x1FCC0]  }
0x1e1: {  	v15 =	vmul.f32 v15, v29;
	v5 =	vadd.f32 v5, v16;
	v16 =	vld [tilespmem:$0x1FCA0];
	v20 =	vadd.f32 v20, v50  }
0x1e2: {  	v51 =	vmax.f32 v58, $0.0e+00;
	v58 =	vld [tilespmem:$0x1FCE0]  }
0x1e3: {  	v15 =	vadd.f32 v15, v20;
	v20 =	vld [tilespmem:$0x1FCD0]  }
0x1e4: {  	v9 =	vadd.f32 v52, v9;
	v52 =	vld [tilespmem:$0x1FCB0]  }
0x1e5: {  	v21 =	vadd.f32 v21, v39;
	v39 =	vld [tilespmem:$0x1FC20]  }
0x1e6: {  	v4 =	vmax.f32 v4, $0.0e+00;
	v26 =	vld.idx.msk [tilespmem:v26+s7+$0x0], $0xffff  }
0x1e7: {  	v4 =	vmul.f32 v4, v29;
	v40 =	vmax.f32 v40, $0.0e+00;
	v22 =	vld.idx.msk [tilespmem:v22+s7+$0x0], $0xffff  }
0x1e8: {  	v24 =	vld.idx.msk [tilespmem:v35+s7+$0x0], $0xffff;
	v1 =	vadd.f32 v1, v3;
	v3 =	vmax.f32 v21, $0.0e+00;
	v21 =	vmul.f32 v40, v29  }
0x1e9: {  	v3 =	vmul.f32 v3, v30;
	v4 =	vadd.f32 v4, v57;
	v16 =	vld.idx.msk [tilespmem:v16+s7+$0x0], $0xffff  }
0x1ea: {  	v11 =	vadd.f32 v21, v11;
	v21 =	vadd.f32 v28, v36;
	v28 =	vld.idx.msk [tilespmem:v58+s7+$0x0], $0xffff  }
0x1eb: {  	v3 =	vadd.f32 v3, v4;
	v4 =	vmul.f32 v51, v30;
	v20 =	vld.idx.msk [tilespmem:v20+s7+$0x0], $0xffff;
	v23 =	vadd.f32 v26, v23  }
0x1ec: {  	v8 =	vadd.f32 v22, v8;
	v53 =	vld.idx.msk [tilespmem:v52+s7+$0x0], $0xffff  }
0x1ed: {  	v6 =	vadd.f32 v32, v6;
	v4 =	vadd.f32 v4, v11;
	v26 =	vld [tilespmem:$0x1FCF0];
	v11 =	vmax.f32 v23, $0.0e+00  }
0x1ee: {  	v8 =	vmax.f32 v8, $0.0e+00;
	[tilespmem:s12+$0xFFFFFFE0] =	vst v3;
	v23 =	vld.idx.msk [tilespmem:v34+s7+$0x0], $0xffff;
	v3 =	vmul.f32 v11, v60  }
0x1ef: {  	v6 =	vmax.f32 v6, $0.0e+00;
	v35 =	vadd.f32 v39, v41;
	v8 =	vmul.f32 v8, v60;
	v11 =	vld.idx.msk [tilespmem:v62+s7+$0x0], $0xffff  }
0x1f0: {  	[tilespmem:s12+$0x0] =	vst v4;
	v4 =	vld [tilespmem:$0x1FD00];
	v0 =	vadd.f32 v3, v0;
	v3 =	vmul.f32 v6, v60  }
0x1f1: {  	v35 =	vmax.f32 v35, $0.0e+00;
	v2 =	vadd.f32 v8, v2;
	v8 =	vadd.f32 v19, v53;
	v19 =	vld.idx.msk [tilespmem:v56+s7+$0x0], $0xffff  }
0x1f2: {  	v22 =	vmul.f32 v35, v30;
	v3 =	vadd.f32 v3, v1;
	v1 =	vld [tilespmem:$0x1FD10]  }
0x1f3: {  	v20 =	vadd.f32 v20, v21;
	v21 =	vadd.f32 v23, v8;
	v8 =	vld [tilespmem:$0x1FD20]  }
0x1f4: {  	v15 =	vadd.f32 v22, v15;
	v22 =	vld.idx.msk [tilespmem:v54+s7+$0x0], $0xffff  }
0x1f5: {  	v23 =	vld.idx.msk [tilespmem:v7+s7+$0x0], $0xffff  }
0x1f6: {  	v26 =	vld.idx.msk [tilespmem:v26+s7+$0x0], $0xffff  }
0x1f7: {  	[tilespmem:s12+$0xFFFFFFF0] =	vst v15;
	v17 =	vadd.f32 v19, v17;
	v19 =	vld [tilespmem:$0x1FD30]  }
0x1f8: {  	v4 =	vld.idx.msk [tilespmem:v4+s7+$0x0], $0xffff  }
0x1f9: {  	v7 =	vmax.f32 v17, $0.0e+00;
	v17 =	vld [tilespmem:$0x1FFE0]  }
0x1fa: {  	v16 =	vadd.f32 v24, v16;
	v1 =	vld.idx.msk [tilespmem:v1+s7+$0x0], $0xffff  }
0x1fb: {  	v8 =	vld.idx.msk [tilespmem:v8+s7+$0x0], $0xffff  }
0x1fc: {  	v6 =	vadd.f32 v26, v16;
	v16 =	vld.idx.msk [tilespmem:v31+s7+$0x0], $0xffff  }
0x1fd: {  	v4 =	vadd.f32 v4, v5  }
0x1fe: {  	v7 =	vmul.f32 v7, v17  }
0x1ff: {  	v4 =	vmax.f32 v4, $0.0e+00;
	v1 =	vadd.f32 v1, v9  }
0x200: {  	v2 =	vadd.f32 v7, v2;
	v4 =	vmul.f32 v4, v17;
	v7 =	vadd.f32 v11, v8;
	v8 =	vld [tilespmem:$0x1FD60]  }
0x201: {  	v5 =	vld.idx.msk [tilespmem:v10+s7+$0x0], $0xffff;
	v10 =	vadd.f32 v22, v16;
	v22 =	vmov v17;
	v1 =	vmax.f32 v1, $0.0e+00  }
0x202: {  	v0 =	vadd.f32 v4, v0;
	v4 =	vmul.f32 v1, v22;
	v1 =	vld [tilespmem:$0x1FD90]  }
0x203: {  	v15 =	vld.idx.msk [tilespmem:v55+s7+$0x0], $0xffff  }
0x204: {  	v19 =	vld.idx.msk [tilespmem:v19+s7+$0x0], $0xffff  }
0x205: {  	v16 =	vld [tilespmem:$0x1FD40]  }
0x206: {  	v9 =	vld [tilespmem:$0x1FD50]  }
0x207: {  	v3 =	vadd.f32 v4, v3;
	v4 =	vld [tilespmem:$0x1FDB0]  }
0x208: {  	v15 =	vadd.f32 v28, v15;
	v11 =	vld.idx.msk [tilespmem:v8+s7+$0x0], $0xffff  }
0x209: {  	v8 =	vld [tilespmem:$0x1FD70]  }
0x20a: {  	v15 =	vadd.f32 v19, v15;
	v19 =	vld.idx.msk [tilespmem:v1+s7+$0x0], $0xffff  }
0x20b: {  	v1 =	vadd.f32 v5, v10;
	v5 =	vld [tilespmem:$0x1FDA0];
	_ =	sdelay $0x3  }
0x20c: {  	v16 =	vld.idx.msk [tilespmem:v16+s7+$0x0], $0xffff  }
0x20d: {  	v9 =	vld.idx.msk [tilespmem:v9+s7+$0x0], $0xffff  }
0x20e: {  	v4 =	vld.idx.msk [tilespmem:v4+s7+$0x0], $0xffff  }
0x20f: {  	v8 =	vld.idx.msk [tilespmem:v8+s7+$0x0], $0xffff  }
0x210: {  	v5 =	vld.idx.msk [tilespmem:v5+s7+$0x0], $0xffff  }
0x211: {  	v6 =	vadd.f32 v19, v6;
	v19 =	vld [tilespmem:$0x1FFF0]  }
0x212: {  	v10 =	vld.idx.msk [tilespmem:v13+s7+$0x0], $0xffff;
	_ =	sdelay $0x1  }
0x213: {  	v7 =	vadd.f32 v9, v7;
	v9 =	vadd.f32 v8, v20  }
0x214: {  	v6 =	vmax.f32 v6, $0.0e+00;
	v16 =	vadd.f32 v16, v5;
	v5 =	vld.idx.msk [tilespmem:v12+s7+$0x0], $0xffff;
	v12 =	vadd.f32 v4, v21  }
0x215: {  	v6 =	vmul.f32 v6, v19;
	v9 =	vmax.f32 v9, $0.0e+00  }
0x216: {  	v9 =	vmul.f32 v9, v19;
	v21 =	vmovc v19;
	v19 =	vadd.f32 v11, v10;
	v10 =	vmax.f32 v12, $0.0e+00  }
0x217: {  	v17 =	vld [tilespmem:$0x1FD80];
	v24 =	vadd.f32 v6, v0;
	v0 =	vmul.f32 v10, v21;
	_ =	sdelay $0x1  }
0x218: {  	v21 =	vadd.f32 v0, v3;
	v0 =	vld [tilespmem:$0x1FDE0];
	_ =	sdelay $0x5  }
0x219: {  	v17 =	vld.idx.msk [tilespmem:v17+s7+$0x0], $0xffff  }
0x21a: {  	v6 =	vld [tilespmem:$0x1FDC0]  }
0x21b: {  	v12 =	vld.idx.msk [tilespmem:v0+s7+$0x0], $0xffff  }
0x21c: {  	v0 =	vld [tilespmem:$0x1FDF0];
	_ =	sdelay $0x2  }
0x21d: {  	v13 =	vld.idx.msk [tilespmem:v14+s7+$0x0], $0xffff;
	_ =	sdelay $0x1  }
0x21e: {  	v14 =	vadd.f32 v23, v17;
	v17 =	vld.idx.msk [tilespmem:v25+s7+$0x0], $0xffff  }
0x21f: {  	v10 =	vld.idx.msk [tilespmem:v6+s7+$0x0], $0xffff  }
0x220: {  	v6 =	vld [tilespmem:$0x1FDD0]  }
0x221: {  	v25 =	vadd.f32 v13, v14;
	v13 =	vld.idx.msk [tilespmem:v0+s7+$0x0], $0xffff  }
0x222: {  	v0 =	vld [tilespmem:$0x1FE00]  }
0x223: {  	v8 =	vld.idx.msk [tilespmem:v18+s7+$0x0], $0xffff  }
0x224: {  	s14 =	sadd.s32 $0x4, s14;
	v18 =	vld.idx.msk [tilespmem:v27+s7+$0x0], $0xffff  }
0x225: {  	p0 =	slt.u32 s14, $0x1C;
	v20 =	vld.idx.msk [tilespmem:v63+s7+$0x0], $0xffff  }
.Ltmp0:
0x226: {  	_ = 	snop;
	(pc) =	sbr.rel @p0 .LBB2_2-.Ltmp0, $4  }
0x227: {  	v4 =	vld.idx.msk [tilespmem:v59+s7+$0x0], $0xffff  }
0x228: {  	v9 =	vadd.f32 v9, v2;
	v2 =	vld.idx.msk [tilespmem:v61+s7+$0x0], $0xffff  }
0x229: {  	v26 =	vadd.f32 v17, v16;
	v11 =	vld.idx.msk [tilespmem:v6+s7+$0x0], $0xffff  }
0x22a: {  	s15 =	sadd.s32 $0x40, s15;
	s12 =	smov.u32 s13;
	v19 =	vadd.f32 v18, v19;
	v14 =	vadd.f32 v20, v15;
	v18 =	vld.idx.msk [tilespmem:v0+s7+$0x0], $0xffff  }
0x22b: {  	_ =	sdelay $0x3  }
0x22c: {  	v0 =	vld.idx.msk [tilespmem:v45+s7+$0x0], $0xffff  }
0x22d: {  	v3 =	vld.idx.msk [tilespmem:v42+s7+$0x0], $0xffff  }
0x22e: {  	v6 =	vld.idx.msk [tilespmem:v43+s7+$0x0], $0xffff  }
0x22f: {  	v15 =	vld.idx.msk [tilespmem:v46+s7+$0x0], $0xffff  }
0x230: {  	v17 =	vld [tilespmem:$0x1FED0]  }
0x231: {  	v16 =	vld.idx.msk [tilespmem:v49+s7+$0x0], $0xffff;
	v1 =	vadd.f32 v10, v1  }
0x232: {  	v52 =	vld.idx.msk [tilespmem:v48+s7+$0x0], $0xffff;
	v7 =	vadd.f32 v12, v7;
	v2 =	vadd.f32 v8, v2  }
0x233: {  	v53 =	vld.idx.msk [tilespmem:v47+s7+$0x0], $0xffff;
	v14 =	vmax.f32 v14, $0.0e+00;
	v4 =	vadd.f32 v4, v13;
	v1 =	vmax.f32 v1, $0.0e+00  }
0x234: {  	v54 =	vld.idx.msk [tilespmem:v44+s7+$0x0], $0xffff;
	v7 =	vmax.f32 v7, $0.0e+00;
	v5 =	vadd.f32 v5, v11;
	v2 =	vadd.f32 v18, v2  }
0x235: {  	v60 =	vld [tilespmem:$0x1FEE0];
	v51 =	vmul.f32 v14, v17;
	v6 =	vadd.f32 v6, v25;
	v55 =	vadd.f32 v15, v26  }
0x236: {  	v1 =	vmul.f32 v1, v17;
	v56 =	vadd.f32 v16, v19;
	v0 =	vadd.f32 v0, v5  }
0x237: {  	v61 =	vld [tilespmem:$0x1FF00];
	v7 =	vmul.f32 v7, v17;
	v3 =	vadd.f32 v3, v4;
	v2 =	vadd.f32 v52, v2  }
0x238: {  	v8 =	vadd.f32 v51, v9;
	v57 =	vmax.f32 v6, $0.0e+00;
	v58 =	vmax.f32 v55, $0.0e+00  }
0x239: {  	v59 =	vmax.f32 v56, $0.0e+00;
	v0 =	vadd.f32 v53, v0;
	v3 =	vadd.f32 v54, v3  }
0x23a: {  	v1 =	vadd.f32 v1, v24;
	v7 =	vadd.f32 v7, v21;
	v4 =	vmul.f32 v57, v60  }
0x23b: {  	v5 =	vmul.f32 v58, v60;
	v2 =	vmax.f32 v2, $0.0e+00;
	v6 =	vmul.f32 v59, v60  }
0x23c: {  	v0 =	vmax.f32 v0, $0.0e+00;
	v2 =	vmul.f32 v2, v61;
	v4 =	vadd.f32 v4, v8  }
0x23d: {  	v3 =	vmax.f32 v3, $0.0e+00;
	v1 =	vadd.f32 v5, v1;
	v0 =	vmul.f32 v0, v61  }
0x23e: {  	v62 =	vadd.f32 v6, v7;
	v3 =	vmul.f32 v3, v61;
	v2 =	vadd.f32 v2, v4  }
0x23f: {  	v0 =	vadd.f32 v0, v1  }
0x240: {  	s11 =	sadd.s32 $0x1, s11;
	v63 =	vadd.f32 v3, v62;
	[tilespmem:s12+$0xFFFFFFE0] =	vst v2  }
0x241: {  	p0 =	sne.s32 s11, s6;
	[tilespmem:s12+$0xFFFFFFF0] =	vst v0  }
.Ltmp1:
0x242: {  	[tilespmem:s12+$0x0] =	vst v63;
	(pc) =	sbr.rel @p0 .LBB2_1-.Ltmp1, $4  }
0x243: {  	[hbm4b:s5+s2] =	stream.linear.scatter [tilespmem:s9], [sflag:$0x2], $0x200, $0x38;
	[tilespmem:$0x2700] =	vst v63  }
0x244: {  	_ =	swait.ge [sflag:s10], $0x200  }
0x245: {  	[sflag:s10] =	ssyncset.done $0x0  }
0x246: {  	[sflag:s10] =	ssyncadd.s32 $0xFFFFFE00  }
0x247: {  	_ =	sfence.sel $0x180000  }
0x248: {  	[bflag:$0x0] =	sbarrier.arrive $0xFFFF  }
0x249: {  	p0 =	sne.s32 s1, $0x0;
	_ =	strace $0x90000047  }
0x24a: {  	s0 =	sadd.s32 @!p0 $0x100000, s0;
	[bflag:$0x2] =	sbarrier.arrive $0xFFFF  }
0x24b: {  	[sflag:s0] =	ssyncadd.tile.s32 @!p0 $0x1;
	_ =	shalt  }
.Lfunc_end2:
_tile_overlayer_lowered:
.L_overlay_start_2:
0x24c: {  	(tag) =	ssettag $0x2  }
0x24d: {  	s0 =	rddreg [dreg:$0x0];
	s2 =	stileid.u32  }
0x24e: {  	s1 =	rddreg [dreg:$0x1];
	p0 =	sne.s32 s2, $0x0  }
0x24f: {  	s3 =	rddreg [dreg:$0x2];
	[bflag:$0x3] =	sbarrier.arrive $0xFFFF;
	s2 =	simm.s32 @!p0 $0x1C02  }
0x250: {  	[timem:s3], [sflag:s2] =	dma.local @!p0 [hbm:s0], s1  }
0x251: {  	s0 =	simm.s32 @!p0 $0x2  }
0x252: {  	_ =	swait.ge @!p0 [sflag:s0], s1  }
0x253: {  	s1 =	ssub.s32 @!p0 $0x0, s1;
	[sflag:s0] =	ssyncset.done @!p0 $0x0  }
0x254: {  	[sflag:s0] =	ssyncadd.s32 @!p0 s1  }
0x255: {  	[bflag:$0x3] =	sbarrier.arrive $0xFFFF  }
0x256: {  	_ =	shalt  }

</sc_bundles>
